<compile_context>
chip_gen: v7x
topology: tpu7x:2x2x1
jax: 0.10.2.dev20260603
libtpu: 0.0.44.dev20260713+nightly
codegen_flags: <defaults>
</compile_context>

<pallas_src>
import functools

import jax
import jax.numpy as jnp
from jax import lax
from jax.experimental import pallas as pl
from jax.experimental.pallas import tpu as pltpu
from jax.experimental.pallas import tpu_sc as plsc

E = 16
D = 1024
DFF = 1024
T = 8192

BM = 512
NT = T // BM
G = NT + E
TP = G * BM

MW = 256
EGW = 128
OFFP_L = 128
USED_L = 160

RT = 1024
NRT = T // RT

NC = 2
NS = 16
NW = NC * NS
CH = T // NW
NRW = RT // CH
SUB = 64
NSUB = CH // SUB
SUBC = 32
NSUBC = CH // SUBC


def _gate_body(x_ref, wg_ref, bg_ref, er_ref, meta_ref, xb_ref, run_ref):
    t = pl.program_id(0)

    @pl.when(t == 0)
    def _():
        run_ref[...] = jnp.zeros_like(run_ref)

    xb = x_ref[...].astype(jnp.bfloat16)
    lo = lax.bitcast_convert_type(xb[:, :D // 2], jnp.uint16)
    hi = lax.bitcast_convert_type(xb[:, D // 2:], jnp.uint16)
    xb_ref[...] = lax.bitcast_convert_type(
        lo.astype(jnp.uint32) | (hi.astype(jnp.uint32) << 16), jnp.int32)
    logits = jnp.dot(x_ref[...], wg_ref[...],
                     preferred_element_type=jnp.float32) + bg_ref[...]
    m = jnp.max(logits, axis=1, keepdims=True)
    ii = lax.broadcasted_iota(jnp.int32, (RT, E), 1)
    eid = jnp.min(jnp.where(logits == m, ii, E), axis=1)
    oh = (ii == eid[:, None]).astype(jnp.float32)
    ri = lax.broadcasted_iota(jnp.int32, (RT, RT), 0)
    ci = lax.broadcasted_iota(jnp.int32, (RT, RT), 1)
    lt = (ci < ri).astype(jnp.bfloat16)
    within = jnp.dot(lt, oh.astype(jnp.bfloat16),
                     preferred_element_type=jnp.float32)
    run = run_ref[...]
    rank = jnp.sum(oh * (within + run), axis=1)
    er_ref[...] = ((eid << 16) | rank.astype(jnp.int32))[None, None, :]
    new_run = run + jnp.sum(oh, axis=0, keepdims=True)
    run_ref[...] = new_run

    @pl.when(t == NRT - 1)
    def _():
        tiles = jnp.ceil(new_run * (1.0 / BM))
        ut = (lax.broadcasted_iota(jnp.int32, (E, E), 0)
              <= lax.broadcasted_iota(jnp.int32, (E, E), 1)).astype(jnp.bfloat16)
        ends = jnp.dot(tiles.astype(jnp.bfloat16), ut,
                       preferred_element_type=jnp.float32)
        offp = ((ends - tiles) * BM).astype(jnp.int32)
        used = jnp.max(ends, axis=1, keepdims=True).astype(jnp.int32)
        gi = lax.broadcasted_iota(jnp.int32, (EGW, E), 0)
        eg = jnp.minimum(
            jnp.sum((gi >= ends.astype(jnp.int32)).astype(jnp.int32), axis=1),
            E - 1)
        meta_ref[...] = jnp.concatenate(
            [eg[None, :], offp,
             jnp.broadcast_to(used, (1, MW - EGW - E))], axis=1)


_gate_call = pl.pallas_call(
    _gate_body,
    grid=(NRT,),
    in_specs=[
        pl.BlockSpec((RT, D), lambda t: (t, 0)),
        pl.BlockSpec((D, E), lambda t: (0, 0)),
        pl.BlockSpec((1, E), lambda t: (0, 0)),
    ],
    out_specs=[
        pl.BlockSpec((1, 1, RT), lambda t: (t, 0, 0)),
        pl.BlockSpec((1, MW), lambda t: (0, 0)),
        pl.BlockSpec((RT, D // 2), lambda t: (t, 0)),
    ],
    out_shape=[
        jax.ShapeDtypeStruct((NRT, 1, RT), jnp.int32),
        jax.ShapeDtypeStruct((1, MW), jnp.int32),
        jax.ShapeDtypeStruct((T, D // 2), jnp.int32),
    ],
    scratch_shapes=[pltpu.VMEM((1, E), jnp.float32)],
    compiler_params=pltpu.CompilerParams(
        dimension_semantics=("arbitrary",)),
)


_sc_mesh = plsc.VectorSubcoreMesh(core_axis_name="c", subcore_axis_name="s")


@functools.partial(
    pl.kernel,
    out_type=[
        jax.ShapeDtypeStruct((TP, D // 2), jnp.int32),
        jax.ShapeDtypeStruct((NW, NSUB, SUB), jnp.int32),
    ],
    mesh=_sc_mesh,
    scratch_types=[
        pltpu.VMEM((CH,), jnp.int32),
        pltpu.VMEM((E,), jnp.int32),
        pltpu.VMEM((NSUB, SUB), jnp.int32),
        pltpu.VMEM((SUB, D // 2), jnp.int32),
        pltpu.VMEM((SUB, D // 2), jnp.int32),
        pltpu.SemaphoreType.DMA,
        pltpu.SemaphoreType.DMA,
    ],
    compiler_params=pltpu.CompilerParams(needs_layout_passes=False),
)
def _dispatch_kernel(x_hbm, er_hbm, meta_hbm, xsp_hbm, pos_hbm,
                     er_v, off_v, idx_v, rows0, rows1, rsem, ssem):
    w = lax.axis_index("s") * NC + lax.axis_index("c")
    base = w * CH
    r, lo = w // NRW, (w % NRW) * CH
    rows = (rows0, rows1)
    reads = [pltpu.async_copy(x_hbm.at[pl.ds(base, SUB)], rows0, rsem)]
    pltpu.sync_copy(meta_hbm.at[0, pl.ds(OFFP_L, E)], off_v)
    pltpu.sync_copy(er_hbm.at[r, 0, pl.ds(lo, CH)], er_v)
    for j in range(NSUB):
        for k in range(SUB // 16):
            o = j * SUB + k * 16
            ev = er_v[pl.ds(o, 16)]
            idx_v[j, pl.ds(k * 16, 16)] = (
                plsc.load_gather(off_v, [ev >> 16]) + (ev & 0xFFFF))
    scats = []
    for j in range(NSUB):
        reads[j].wait()
        scats.append(
            pltpu.async_copy(rows[j % 2], xsp_hbm.at[idx_v.at[j]], ssem))
        if j + 1 < NSUB:
            if j >= 1:
                scats[j - 1].wait()
            reads.append(pltpu.async_copy(
                x_hbm.at[pl.ds(base + (j + 1) * SUB, SUB)],
                rows[(j + 1) % 2], rsem))
    pltpu.sync_copy(idx_v, pos_hbm.at[w])
    for j in range(max(NSUB - 2, 0), NSUB):
        scats[j].wait()


def _gg(g, s):
    return jnp.minimum(g, s[0, USED_L] - 1)


def _ffn_body(s_ref, x_ref, w1_ref, b1_ref, w2_ref, b2_ref, o_ref,
              w1b_s, w2b_s, last_s):
    g = pl.program_id(0)

    @pl.when(g < s_ref[0, USED_L])
    def _():
        e = s_ref[0, g]

        @pl.when(jnp.logical_or(g == 0, e != last_s[0]))
        def _():
            w1b_s[...] = w1_ref[0].astype(jnp.bfloat16)
            w2b_s[...] = w2_ref[0].astype(jnp.bfloat16)

        last_s[0] = e
        wv = lax.bitcast_convert_type(x_ref[...], jnp.uint32)
        xlo = lax.bitcast_convert_type(
            (wv & 0xFFFF).astype(jnp.uint16), jnp.bfloat16)
        xhi = lax.bitcast_convert_type(
            (wv >> 16).astype(jnp.uint16), jnp.bfloat16)
        h = (jnp.dot(xlo, w1b_s[:D // 2], preferred_element_type=jnp.float32)
             + jnp.dot(xhi, w1b_s[D // 2:],
                       preferred_element_type=jnp.float32)
             + b1_ref[0])
        hb = jnp.maximum(h, 0.0).astype(jnp.bfloat16)
        y = (jnp.dot(hb, w2b_s[...], preferred_element_type=jnp.float32)
             + b2_ref[0])
        o_ref[...] = y


_ffn_call = pl.pallas_call(
    _ffn_body,
    grid_spec=pltpu.PrefetchScalarGridSpec(
        num_scalar_prefetch=1,
        grid=(G,),
        in_specs=[
            pl.BlockSpec((BM, D // 2), lambda g, s: (_gg(g, s), 0)),
            pl.BlockSpec((1, D, DFF), lambda g, s: (s[0, _gg(g, s)], 0, 0)),
            pl.BlockSpec((1, 1, DFF), lambda g, s: (s[0, _gg(g, s)], 0, 0)),
            pl.BlockSpec((1, DFF, D), lambda g, s: (s[0, _gg(g, s)], 0, 0)),
            pl.BlockSpec((1, 1, D), lambda g, s: (s[0, _gg(g, s)], 0, 0)),
        ],
        out_specs=pl.BlockSpec((BM, D), lambda g, s: (_gg(g, s), 0)),
        scratch_shapes=[
            pltpu.VMEM((D, DFF), jnp.bfloat16),
            pltpu.VMEM((DFF, D), jnp.bfloat16),
            pltpu.SMEM((1,), jnp.int32),
        ],
    ),
    out_shape=jax.ShapeDtypeStruct((TP, D), jnp.float32),
    compiler_params=pltpu.CompilerParams(
        dimension_semantics=("arbitrary",)),
)


@functools.partial(
    pl.kernel,
    out_type=jax.ShapeDtypeStruct((T, D), jnp.float32),
    mesh=_sc_mesh,
    scratch_types=[
        pltpu.VMEM((NSUB, SUB), jnp.int32),
        pltpu.VMEM((SUBC, D), jnp.float32),
        pltpu.VMEM((SUBC, D), jnp.float32),
        pltpu.SemaphoreType.DMA,
        pltpu.SemaphoreType.DMA,
    ],
    compiler_params=pltpu.CompilerParams(needs_layout_passes=False),
)
def _combine_kernel(ysp_hbm, pos_hbm, out_hbm, idx_v, rows0, rows1,
                    gsem, wsem):
    w = lax.axis_index("s") * NC + lax.axis_index("c")
    base = w * CH
    rows = (rows0, rows1)
    pltpu.sync_copy(pos_hbm.at[w], idx_v)

    def _idx(j):
        return idx_v.at[j // 2, pl.ds((j % 2) * SUBC, SUBC)]

    gets = [pltpu.async_copy(ysp_hbm.at[_idx(0)], rows0, gsem)]
    wrs = []
    for j in range(NSUBC):
        gets[j].wait()
        wrs.append(pltpu.async_copy(
            rows[j % 2], out_hbm.at[pl.ds(base + j * SUBC, SUBC)], wsem))
        if j + 1 < NSUBC:
            if j >= 1:
                wrs[j - 1].wait()
            gets.append(pltpu.async_copy(
                ysp_hbm.at[_idx(j + 1)], rows[(j + 1) % 2], gsem))
    for j in range(max(NSUBC - 2, 0), NSUBC):
        wrs[j].wait()


def kernel(moe_inp, Wg, bg, w1, b1, w2, b2):
    er3, meta, xb16 = _gate_call(moe_inp, Wg, bg.reshape(1, E))
    xsp, pos = _dispatch_kernel(xb16, er3, meta)
    ysp = _ffn_call(meta, xsp, w1, b1.reshape(E, 1, DFF), w2,
                    b2.reshape(E, 1, D))
    return _combine_kernel(ysp, pos)

# --- scband reference (transcript-rebuilt; emitter-appended) ---
"""Pipeline reference for scband-p-mo-e-644245095185 (READ-ONLY COPY).

The authoritative reference and input builder live on the scoring server;
editing this copy changes nothing except your own understanding.
"""

import jax, jax.numpy as jnp
import numpy as np

E = 16
TOPK = 1
D = 1024
DFF = 1024
TOKENS = 8192

def setup_inputs(seed: int = 0):
    key = jax.random.key(seed)
    ks = jax.random.split(key, 6)
    moe_inp = jax.random.normal(ks[0], (TOKENS, D), dtype=jnp.float32)
    Wg = jax.random.normal(ks[1], (D, E), dtype=jnp.float32) * 0.02
    bg = jnp.zeros((E,), dtype=jnp.float32)
    w1 = jax.random.normal(ks[2], (E, D, DFF), dtype=jnp.float32) * 0.02
    b1 = jnp.zeros((E, DFF), dtype=jnp.float32)
    w2 = jax.random.normal(ks[3], (E, DFF, D), dtype=jnp.float32) * 0.02
    b2 = jnp.zeros((E, D), dtype=jnp.float32)
    return {"moe_inp": moe_inp, "Wg": Wg, "bg": bg, "w1": w1, "b1": b1, "w2": w2, "b2": b2}

def reference(moe_inp, Wg, bg, w1, b1, w2, b2):
    # NaiveGate: linear -> top_k -> softmax over selected logits
    logits = moe_inp @ Wg + bg
    topv, topi = jax.lax.top_k(logits, TOPK)
    scores = jax.nn.softmax(topv, axis=-1)
    # With TOPK == 1, the stable-sort dispatch followed by the inverse scatter
    # is a permutation round trip: each token's value is the FFN of its
    # assigned expert applied to its own row. Compute that with fixed shapes
    # by iterating over the static expert count and masking per token.
    num_experts = w1.shape[0]
    flat_idx = topi.reshape(TOKENS * TOPK)
    tokens = moe_inp.shape[0]
    unsorted = jnp.zeros((tokens * TOPK, D), dtype=moe_inp.dtype)
    for e in range(num_experts):
        h = jax.nn.relu(moe_inp @ w1[e] + b1[e])
        ye = h @ w2[e] + b2[e]
        sel = (flat_idx == e)[:, None]
        unsorted = jnp.where(sel, ye, unsorted)
    # weight by gate score and reduce over top_k (reshape/sum in _pmoe_general_global_forward)
    combined = (unsorted.reshape(TOKENS, TOPK, D) * scores[:, :, None]).sum(axis=1)
    return combined

if __name__ == "__main__":
    import jax
    _d = setup_inputs()
    print(jax.jit(kernel)(*tuple(_d.values())))

</pallas_src>

<mosaic_0001>
#map = affine_map<(d0, d1) -> (0, 0)>
#map1 = affine_map<(d0, d1) -> (0, 0, 0)>
module attributes {stable_mosaic.version = 14 : i64} {
  func.func @_combine_kernel(%arg0: i32, %arg1: i32, %arg2: memref<16384x1024xf32, #tpu.memory_space<hbm>>, %arg3: memref<32x4x64xi32, #tpu.memory_space<hbm>>, %arg4: memref<8192x1024xf32, #tpu.memory_space<hbm>>, %arg5: memref<4x64xi32, #tpu.memory_space<vmem>>, %arg6: memref<32x1024xf32, #tpu.memory_space<vmem>>, %arg7: memref<32x1024xf32, #tpu.memory_space<vmem>>, %arg8: memref<!tpu.dma_semaphore, #tpu.memory_space<semaphore_mem>>, %arg9: memref<!tpu.dma_semaphore, #tpu.memory_space<semaphore_mem>>) attributes {dimension_semantics = [#tpu.dimension_semantics<core_parallel>, #tpu.dimension_semantics<subcore_parallel>], iteration_bounds = array<i64: 2, 16>, scalar_prefetch = 0 : i64, scratch_operands = 5 : i64, tpu.core_type = #tpu.core_type<sc_vector_subcore>, window_params = [{transform_indices = #map}, {transform_indices = #map1}, {transform_indices = #map}]} {
    %mul3A = arith.constant 2 : i32
    %mul3A_0 = arith.muli %arg1, %mul3A : i32
    %add3A = arith.addi %mul3A_0, %arg0 : i32
    %mul3A_1 = arith.constant 256 : i32
    %mul3A_2 = arith.muli %add3A, %mul3A_1 : i32
    "tpu.region"() ({
      %run_scoped3A = tpu.sem_alloc : memref<!tpu.dma_semaphore, #tpu.memory_space<semaphore_mem>>
      %dma_start3A_193 = arith.constant 0 : i32
      %dma_start3A_194 = arith.constant 0 : i32
      %dma_start3A_195 = tpu.memref_slice %arg3[%add3A, %dma_start3A_193, %dma_start3A_194] : memref<32x4x64xi32, #tpu.memory_space<hbm>> -> memref<1x4x64xi32, #tpu.memory_space<hbm>>
      %dma_start3A_196 = tpu.memref_squeeze %dma_start3A_195 : memref<1x4x64xi32, #tpu.memory_space<hbm>> -> memref<4x64xi32, #tpu.memory_space<hbm>>
      %dma_start3A_197 = arith.constant 0 : i32
      %dma_start3A_198 = arith.constant 0 : i32
      %dma_start3A_199 = tpu.memref_slice %arg3[%add3A, %dma_start3A_197, %dma_start3A_198] : memref<32x4x64xi32, #tpu.memory_space<hbm>> -> memref<1x4x64xi32, #tpu.memory_space<hbm>>
      %dma_start3A_200 = tpu.memref_squeeze %dma_start3A_199 : memref<1x4x64xi32, #tpu.memory_space<hbm>> -> memref<4x64xi32, #tpu.memory_space<hbm>>
      tpu.enqueue_dma source(%dma_start3A_200 : memref<4x64xi32, #tpu.memory_space<hbm>>) target(%arg5 : memref<4x64xi32, #tpu.memory_space<vmem>>) target_semaphore(%run_scoped3A : memref<!tpu.dma_semaphore, #tpu.memory_space<semaphore_mem>>)
      %dma_wait3A_201 = arith.constant 0 : i32
      %dma_wait3A_202 = arith.constant 0 : i32
      %dma_wait3A_203 = tpu.memref_slice %arg3[%add3A, %dma_wait3A_201, %dma_wait3A_202] : memref<32x4x64xi32, #tpu.memory_space<hbm>> -> memref<1x4x64xi32, #tpu.memory_space<hbm>>
      %dma_wait3A_204 = tpu.memref_squeeze %dma_wait3A_203 : memref<1x4x64xi32, #tpu.memory_space<hbm>> -> memref<4x64xi32, #tpu.memory_space<hbm>>
      %dma_wait3A_205 = arith.constant 0 : i32
      %dma_wait3A_206 = arith.constant 0 : i32
      %dma_wait3A_207 = tpu.memref_slice %arg3[%add3A, %dma_wait3A_205, %dma_wait3A_206] : memref<32x4x64xi32, #tpu.memory_space<hbm>> -> memref<1x4x64xi32, #tpu.memory_space<hbm>>
      %dma_wait3A_208 = tpu.memref_squeeze %dma_wait3A_207 : memref<1x4x64xi32, #tpu.memory_space<hbm>> -> memref<4x64xi32, #tpu.memory_space<hbm>>
      tpu.wait_dma2 semaphore(%run_scoped3A : memref<!tpu.dma_semaphore, #tpu.memory_space<semaphore_mem>>) src(%dma_wait3A_208 : memref<4x64xi32, #tpu.memory_space<hbm>>) dst(%arg5 : memref<4x64xi32, #tpu.memory_space<vmem>>)
      tpu.yield
    }) : () -> ()
    %dma_start3A = arith.constant 0 : i32
    %dma_start3A_3 = arith.constant 0 : i32
    %dma_start3A_4 = tpu.memref_slice %arg5[%dma_start3A, %dma_start3A_3] : memref<4x64xi32, #tpu.memory_space<vmem>> -> memref<1x32xi32, #tpu.memory_space<vmem>>
    %dma_start3A_5 = tpu.memref_squeeze %dma_start3A_4 : memref<1x32xi32, #tpu.memory_space<vmem>> -> memref<32xi32, #tpu.memory_space<vmem>>
    %dma_start3A_6 = arith.constant 0 : i32
    %dma_start3A_7 = arith.constant 0 : i32
    %dma_start3A_8 = tpu.memref_slice %arg2[%dma_start3A_6, %dma_start3A_7] : memref<16384x1024xf32, #tpu.memory_space<hbm>> -> memref<16384x1024xf32, #tpu.memory_space<hbm>>
    tpu.enqueue_indirect_dma source(%dma_start3A_8 : memref<16384x1024xf32, #tpu.memory_space<hbm>>) target(%arg6 : memref<32x1024xf32, #tpu.memory_space<vmem>>) offsets(%dma_start3A_5 : memref<32xi32, #tpu.memory_space<vmem>>) semaphore(%arg8 : memref<!tpu.dma_semaphore, #tpu.memory_space<semaphore_mem>>)
    %dma_wait3A = arith.constant 0 : i32
    %dma_wait3A_9 = arith.constant 0 : i32
    %dma_wait3A_10 = tpu.memref_slice %arg5[%dma_wait3A, %dma_wait3A_9] : memref<4x64xi32, #tpu.memory_space<vmem>> -> memref<1x32xi32, #tpu.memory_space<vmem>>
    %dma_wait3A_11 = tpu.memref_squeeze %dma_wait3A_10 : memref<1x32xi32, #tpu.memory_space<vmem>> -> memref<32xi32, #tpu.memory_space<vmem>>
    %dma_wait3A_12 = arith.constant 0 : i32
    %dma_wait3A_13 = arith.constant 0 : i32
    %dma_wait3A_14 = tpu.memref_slice %arg2[%dma_wait3A_12, %dma_wait3A_13] : memref<16384x1024xf32, #tpu.memory_space<hbm>> -> memref<16384x1024xf32, #tpu.memory_space<hbm>>
    tpu.wait_indirect_dma semaphore(%arg8 : memref<!tpu.dma_semaphore, #tpu.memory_space<semaphore_mem>>) src(%dma_wait3A_14 : memref<16384x1024xf32, #tpu.memory_space<hbm>>) dst(%arg6 : memref<32x1024xf32, #tpu.memory_space<vmem>>)
    %add3A_15 = arith.constant 0 : i32
    %add3A_16 = arith.addi %mul3A_2, %add3A_15 : i32
    %dma_start3A_17 = arith.constant 0 : i32
    %dma_start3A_18 = tpu.memref_slice %arg4[%add3A_16, %dma_start3A_17] : memref<8192x1024xf32, #tpu.memory_space<hbm>> -> memref<32x1024xf32, #tpu.memory_space<hbm>>
    %dma_start3A_19 = arith.constant 0 : i32
    %dma_start3A_20 = tpu.memref_slice %arg4[%add3A_16, %dma_start3A_19] : memref<8192x1024xf32, #tpu.memory_space<hbm>> -> memref<32x1024xf32, #tpu.memory_space<hbm>>
    tpu.enqueue_dma source(%arg6 : memref<32x1024xf32, #tpu.memory_space<vmem>>) target(%dma_start3A_20 : memref<32x1024xf32, #tpu.memory_space<hbm>>) target_semaphore(%arg9 : memref<!tpu.dma_semaphore, #tpu.memory_space<semaphore_mem>>)
    %dma_start3A_21 = arith.constant 0 : i32
    %dma_start3A_22 = arith.constant 32 : i32
    %dma_start3A_23 = tpu.memref_slice %arg5[%dma_start3A_21, %dma_start3A_22] : memref<4x64xi32, #tpu.memory_space<vmem>> -> memref<1x32xi32, #tpu.memory_space<vmem>>
    %dma_start3A_24 = tpu.memref_squeeze %dma_start3A_23 : memref<1x32xi32, #tpu.memory_space<vmem>> -> memref<32xi32, #tpu.memory_space<vmem>>
    %dma_start3A_25 = arith.constant 0 : i32
    %dma_start3A_26 = arith.constant 0 : i32
    %dma_start3A_27 = tpu.memref_slice %arg2[%dma_start3A_25, %dma_start3A_26] : memref<16384x1024xf32, #tpu.memory_space<hbm>> -> memref<16384x1024xf32, #tpu.memory_space<hbm>>
    tpu.enqueue_indirect_dma source(%dma_start3A_27 : memref<16384x1024xf32, #tpu.memory_space<hbm>>) target(%arg7 : memref<32x1024xf32, #tpu.memory_space<vmem>>) offsets(%dma_start3A_24 : memref<32xi32, #tpu.memory_space<vmem>>) semaphore(%arg8 : memref<!tpu.dma_semaphore, #tpu.memory_space<semaphore_mem>>)
    %dma_wait3A_28 = arith.constant 0 : i32
    %dma_wait3A_29 = arith.constant 32 : i32
    %dma_wait3A_30 = tpu.memref_slice %arg5[%dma_wait3A_28, %dma_wait3A_29] : memref<4x64xi32, #tpu.memory_space<vmem>> -> memref<1x32xi32, #tpu.memory_space<vmem>>
    %dma_wait3A_31 = tpu.memref_squeeze %dma_wait3A_30 : memref<1x32xi32, #tpu.memory_space<vmem>> -> memref<32xi32, #tpu.memory_space<vmem>>
    %dma_wait3A_32 = arith.constant 0 : i32
    %dma_wait3A_33 = arith.constant 0 : i32
    %dma_wait3A_34 = tpu.memref_slice %arg2[%dma_wait3A_32, %dma_wait3A_33] : memref<16384x1024xf32, #tpu.memory_space<hbm>> -> memref<16384x1024xf32, #tpu.memory_space<hbm>>
    tpu.wait_indirect_dma semaphore(%arg8 : memref<!tpu.dma_semaphore, #tpu.memory_space<semaphore_mem>>) src(%dma_wait3A_34 : memref<16384x1024xf32, #tpu.memory_space<hbm>>) dst(%arg7 : memref<32x1024xf32, #tpu.memory_space<vmem>>)
    %add3A_35 = arith.constant 32 : i32
    %add3A_36 = arith.addi %mul3A_2, %add3A_35 : i32
    %dma_start3A_37 = arith.constant 0 : i32
    %dma_start3A_38 = tpu.memref_slice %arg4[%add3A_36, %dma_start3A_37] : memref<8192x1024xf32, #tpu.memory_space<hbm>> -> memref<32x1024xf32, #tpu.memory_space<hbm>>
    %dma_start3A_39 = arith.constant 0 : i32
    %dma_start3A_40 = tpu.memref_slice %arg4[%add3A_36, %dma_start3A_39] : memref<8192x1024xf32, #tpu.memory_space<hbm>> -> memref<32x1024xf32, #tpu.memory_space<hbm>>
    tpu.enqueue_dma source(%arg7 : memref<32x1024xf32, #tpu.memory_space<vmem>>) target(%dma_start3A_40 : memref<32x1024xf32, #tpu.memory_space<hbm>>) target_semaphore(%arg9 : memref<!tpu.dma_semaphore, #tpu.memory_space<semaphore_mem>>)
    %dma_wait3A_41 = arith.constant 0 : i32
    %dma_wait3A_42 = tpu.memref_slice %arg4[%add3A_16, %dma_wait3A_41] : memref<8192x1024xf32, #tpu.memory_space<hbm>> -> memref<32x1024xf32, #tpu.memory_space<hbm>>
    %dma_wait3A_43 = arith.constant 0 : i32
    %dma_wait3A_44 = tpu.memref_slice %arg4[%add3A_16, %dma_wait3A_43] : memref<8192x1024xf32, #tpu.memory_space<hbm>> -> memref<32x1024xf32, #tpu.memory_space<hbm>>
    tpu.wait_dma2 semaphore(%arg9 : memref<!tpu.dma_semaphore, #tpu.memory_space<semaphore_mem>>) src(%arg6 : memref<32x1024xf32, #tpu.memory_space<vmem>>) dst(%dma_wait3A_44 : memref<32x1024xf32, #tpu.memory_space<hbm>>)
    %dma_start3A_45 = arith.constant 1 : i32
    %dma_start3A_46 = arith.constant 0 : i32
    %dma_start3A_47 = tpu.memref_slice %arg5[%dma_start3A_45, %dma_start3A_46] : memref<4x64xi32, #tpu.memory_space<vmem>> -> memref<1x32xi32, #tpu.memory_space<vmem>>
    %dma_start3A_48 = tpu.memref_squeeze %dma_start3A_47 : memref<1x32xi32, #tpu.memory_space<vmem>> -> memref<32xi32, #tpu.memory_space<vmem>>
    %dma_start3A_49 = arith.constant 0 : i32
    %dma_start3A_50 = arith.constant 0 : i32
    %dma_start3A_51 = tpu.memref_slice %arg2[%dma_start3A_49, %dma_start3A_50] : memref<16384x1024xf32, #tpu.memory_space<hbm>> -> memref<16384x1024xf32, #tpu.memory_space<hbm>>
    tpu.enqueue_indirect_dma source(%dma_start3A_51 : memref<16384x1024xf32, #tpu.memory_space<hbm>>) target(%arg6 : memref<32x1024xf32, #tpu.memory_space<vmem>>) offsets(%dma_start3A_48 : memref<32xi32, #tpu.memory_space<vmem>>) semaphore(%arg8 : memref<!tpu.dma_semaphore, #tpu.memory_space<semaphore_mem>>)
    %dma_wait3A_52 = arith.constant 1 : i32
    %dma_wait3A_53 = arith.constant 0 : i32
    %dma_wait3A_54 = tpu.memref_slice %arg5[%dma_wait3A_52, %dma_wait3A_53] : memref<4x64xi32, #tpu.memory_space<vmem>> -> memref<1x32xi32, #tpu.memory_space<vmem>>
    %dma_wait3A_55 = tpu.memref_squeeze %dma_wait3A_54 : memref<1x32xi32, #tpu.memory_space<vmem>> -> memref<32xi32, #tpu.memory_space<vmem>>
    %dma_wait3A_56 = arith.constant 0 : i32
    %dma_wait3A_57 = arith.constant 0 : i32
    %dma_wait3A_58 = tpu.memref_slice %arg2[%dma_wait3A_56, %dma_wait3A_57] : memref<16384x1024xf32, #tpu.memory_space<hbm>> -> memref<16384x1024xf32, #tpu.memory_space<hbm>>
    tpu.wait_indirect_dma semaphore(%arg8 : memref<!tpu.dma_semaphore, #tpu.memory_space<semaphore_mem>>) src(%dma_wait3A_58 : memref<16384x1024xf32, #tpu.memory_space<hbm>>) dst(%arg6 : memref<32x1024xf32, #tpu.memory_space<vmem>>)
    %add3A_59 = arith.constant 64 : i32
    %add3A_60 = arith.addi %mul3A_2, %add3A_59 : i32
    %dma_start3A_61 = arith.constant 0 : i32
    %dma_start3A_62 = tpu.memref_slice %arg4[%add3A_60, %dma_start3A_61] : memref<8192x1024xf32, #tpu.memory_space<hbm>> -> memref<32x1024xf32, #tpu.memory_space<hbm>>
    %dma_start3A_63 = arith.constant 0 : i32
    %dma_start3A_64 = tpu.memref_slice %arg4[%add3A_60, %dma_start3A_63] : memref<8192x1024xf32, #tpu.memory_space<hbm>> -> memref<32x1024xf32, #tpu.memory_space<hbm>>
    tpu.enqueue_dma source(%arg6 : memref<32x1024xf32, #tpu.memory_space<vmem>>) target(%dma_start3A_64 : memref<32x1024xf32, #tpu.memory_space<hbm>>) target_semaphore(%arg9 : memref<!tpu.dma_semaphore, #tpu.memory_space<semaphore_mem>>)
    %dma_wait3A_65 = arith.constant 0 : i32
    %dma_wait3A_66 = tpu.memref_slice %arg4[%add3A_36, %dma_wait3A_65] : memref<8192x1024xf32, #tpu.memory_space<hbm>> -> memref<32x1024xf32, #tpu.memory_space<hbm>>
    %dma_wait3A_67 = arith.constant 0 : i32
    %dma_wait3A_68 = tpu.memref_slice %arg4[%add3A_36, %dma_wait3A_67] : memref<8192x1024xf32, #tpu.memory_space<hbm>> -> memref<32x1024xf32, #tpu.memory_space<hbm>>
    tpu.wait_dma2 semaphore(%arg9 : memref<!tpu.dma_semaphore, #tpu.memory_space<semaphore_mem>>) src(%arg7 : memref<32x1024xf32, #tpu.memory_space<vmem>>) dst(%dma_wait3A_68 : memref<32x1024xf32, #tpu.memory_space<hbm>>)
    %dma_start3A_69 = arith.constant 1 : i32
    %dma_start3A_70 = arith.constant 32 : i32
    %dma_start3A_71 = tpu.memref_slice %arg5[%dma_start3A_69, %dma_start3A_70] : memref<4x64xi32, #tpu.memory_space<vmem>> -> memref<1x32xi32, #tpu.memory_space<vmem>>
    %dma_start3A_72 = tpu.memref_squeeze %dma_start3A_71 : memref<1x32xi32, #tpu.memory_space<vmem>> -> memref<32xi32, #tpu.memory_space<vmem>>
    %dma_start3A_73 = arith.constant 0 : i32
    %dma_start3A_74 = arith.constant 0 : i32
    %dma_start3A_75 = tpu.memref_slice %arg2[%dma_start3A_73, %dma_start3A_74] : memref<16384x1024xf32, #tpu.memory_space<hbm>> -> memref<16384x1024xf32, #tpu.memory_space<hbm>>
    tpu.enqueue_indirect_dma source(%dma_start3A_75 : memref<16384x1024xf32, #tpu.memory_space<hbm>>) target(%arg7 : memref<32x1024xf32, #tpu.memory_space<vmem>>) offsets(%dma_start3A_72 : memref<32xi32, #tpu.memory_space<vmem>>) semaphore(%arg8 : memref<!tpu.dma_semaphore, #tpu.memory_space<semaphore_mem>>)
    %dma_wait3A_76 = arith.constant 1 : i32
    %dma_wait3A_77 = arith.constant 32 : i32
    %dma_wait3A_78 = tpu.memref_slice %arg5[%dma_wait3A_76, %dma_wait3A_77] : memref<4x64xi32, #tpu.memory_space<vmem>> -> memref<1x32xi32, #tpu.memory_space<vmem>>
    %dma_wait3A_79 = tpu.memref_squeeze %dma_wait3A_78 : memref<1x32xi32, #tpu.memory_space<vmem>> -> memref<32xi32, #tpu.memory_space<vmem>>
    %dma_wait3A_80 = arith.constant 0 : i32
    %dma_wait3A_81 = arith.constant 0 : i32
    %dma_wait3A_82 = tpu.memref_slice %arg2[%dma_wait3A_80, %dma_wait3A_81] : memref<16384x1024xf32, #tpu.memory_space<hbm>> -> memref<16384x1024xf32, #tpu.memory_space<hbm>>
    tpu.wait_indirect_dma semaphore(%arg8 : memref<!tpu.dma_semaphore, #tpu.memory_space<semaphore_mem>>) src(%dma_wait3A_82 : memref<16384x1024xf32, #tpu.memory_space<hbm>>) dst(%arg7 : memref<32x1024xf32, #tpu.memory_space<vmem>>)
    %add3A_83 = arith.constant 96 : i32
    %add3A_84 = arith.addi %mul3A_2, %add3A_83 : i32
    %dma_start3A_85 = arith.constant 0 : i32
    %dma_start3A_86 = tpu.memref_slice %arg4[%add3A_84, %dma_start3A_85] : memref<8192x1024xf32, #tpu.memory_space<hbm>> -> memref<32x1024xf32, #tpu.memory_space<hbm>>
    %dma_start3A_87 = arith.constant 0 : i32
    %dma_start3A_88 = tpu.memref_slice %arg4[%add3A_84, %dma_start3A_87] : memref<8192x1024xf32, #tpu.memory_space<hbm>> -> memref<32x1024xf32, #tpu.memory_space<hbm>>
    tpu.enqueue_dma source(%arg7 : memref<32x1024xf32, #tpu.memory_space<vmem>>) target(%dma_start3A_88 : memref<32x1024xf32, #tpu.memory_space<hbm>>) target_semaphore(%arg9 : memref<!tpu.dma_semaphore, #tpu.memory_space<semaphore_mem>>)
    %dma_wait3A_89 = arith.constant 0 : i32
    %dma_wait3A_90 = tpu.memref_slice %arg4[%add3A_60, %dma_wait3A_89] : memref<8192x1024xf32, #tpu.memory_space<hbm>> -> memref<32x1024xf32, #tpu.memory_space<hbm>>
    %dma_wait3A_91 = arith.constant 0 : i32
    %dma_wait3A_92 = tpu.memref_slice %arg4[%add3A_60, %dma_wait3A_91] : memref<8192x1024xf32, #tpu.memory_space<hbm>> -> memref<32x1024xf32, #tpu.memory_space<hbm>>
    tpu.wait_dma2 semaphore(%arg9 : memref<!tpu.dma_semaphore, #tpu.memory_space<semaphore_mem>>) src(%arg6 : memref<32x1024xf32, #tpu.memory_space<vmem>>) dst(%dma_wait3A_92 : memref<32x1024xf32, #tpu.memory_space<hbm>>)
    %dma_start3A_93 = arith.constant 2 : i32
    %dma_start3A_94 = arith.constant 0 : i32
    %dma_start3A_95 = tpu.memref_slice %arg5[%dma_start3A_93, %dma_start3A_94] : memref<4x64xi32, #tpu.memory_space<vmem>> -> memref<1x32xi32, #tpu.memory_space<vmem>>
    %dma_start3A_96 = tpu.memref_squeeze %dma_start3A_95 : memref<1x32xi32, #tpu.memory_space<vmem>> -> memref<32xi32, #tpu.memory_space<vmem>>
    %dma_start3A_97 = arith.constant 0 : i32
    %dma_start3A_98 = arith.constant 0 : i32
    %dma_start3A_99 = tpu.memref_slice %arg2[%dma_start3A_97, %dma_start3A_98] : memref<16384x1024xf32, #tpu.memory_space<hbm>> -> memref<16384x1024xf32, #tpu.memory_space<hbm>>
    tpu.enqueue_indirect_dma source(%dma_start3A_99 : memref<16384x1024xf32, #tpu.memory_space<hbm>>) target(%arg6 : memref<32x1024xf32, #tpu.memory_space<vmem>>) offsets(%dma_start3A_96 : memref<32xi32, #tpu.memory_space<vmem>>) semaphore(%arg8 : memref<!tpu.dma_semaphore, #tpu.memory_space<semaphore_mem>>)
    %dma_wait3A_100 = arith.constant 2 : i32
    %dma_wait3A_101 = arith.constant 0 : i32
    %dma_wait3A_102 = tpu.memref_slice %arg5[%dma_wait3A_100, %dma_wait3A_101] : memref<4x64xi32, #tpu.memory_space<vmem>> -> memref<1x32xi32, #tpu.memory_space<vmem>>
    %dma_wait3A_103 = tpu.memref_squeeze %dma_wait3A_102 : memref<1x32xi32, #tpu.memory_space<vmem>> -> memref<32xi32, #tpu.memory_space<vmem>>
    %dma_wait3A_104 = arith.constant 0 : i32
    %dma_wait3A_105 = arith.constant 0 : i32
    %dma_wait3A_106 = tpu.memref_slice %arg2[%dma_wait3A_104, %dma_wait3A_105] : memref<16384x1024xf32, #tpu.memory_space<hbm>> -> memref<16384x1024xf32, #tpu.memory_space<hbm>>
    tpu.wait_indirect_dma semaphore(%arg8 : memref<!tpu.dma_semaphore, #tpu.memory_space<semaphore_mem>>) src(%dma_wait3A_106 : memref<16384x1024xf32, #tpu.memory_space<hbm>>) dst(%arg6 : memref<32x1024xf32, #tpu.memory_space<vmem>>)
    %add3A_107 = arith.constant 128 : i32
    %add3A_108 = arith.addi %mul3A_2, %add3A_107 : i32
    %dma_start3A_109 = arith.constant 0 : i32
    %dma_start3A_110 = tpu.memref_slice %arg4[%add3A_108, %dma_start3A_109] : memref<8192x1024xf32, #tpu.memory_space<hbm>> -> memref<32x1024xf32, #tpu.memory_space<hbm>>
    %dma_start3A_111 = arith.constant 0 : i32
    %dma_start3A_112 = tpu.memref_slice %arg4[%add3A_108, %dma_start3A_111] : memref<8192x1024xf32, #tpu.memory_space<hbm>> -> memref<32x1024xf32, #tpu.memory_space<hbm>>
    tpu.enqueue_dma source(%arg6 : memref<32x1024xf32, #tpu.memory_space<vmem>>) target(%dma_start3A_112 : memref<32x1024xf32, #tpu.memory_space<hbm>>) target_semaphore(%arg9 : memref<!tpu.dma_semaphore, #tpu.memory_space<semaphore_mem>>)
    %dma_wait3A_113 = arith.constant 0 : i32
    %dma_wait3A_114 = tpu.memref_slice %arg4[%add3A_84, %dma_wait3A_113] : memref<8192x1024xf32, #tpu.memory_space<hbm>> -> memref<32x1024xf32, #tpu.memory_space<hbm>>
    %dma_wait3A_115 = arith.constant 0 : i32
    %dma_wait3A_116 = tpu.memref_slice %arg4[%add3A_84, %dma_wait3A_115] : memref<8192x1024xf32, #tpu.memory_space<hbm>> -> memref<32x1024xf32, #tpu.memory_space<hbm>>
    tpu.wait_dma2 semaphore(%arg9 : memref<!tpu.dma_semaphore, #tpu.memory_space<semaphore_mem>>) src(%arg7 : memref<32x1024xf32, #tpu.memory_space<vmem>>) dst(%dma_wait3A_116 : memref<32x1024xf32, #tpu.memory_space<hbm>>)
    %dma_start3A_117 = arith.constant 2 : i32
    %dma_start3A_118 = arith.constant 32 : i32
    %dma_start3A_119 = tpu.memref_slice %arg5[%dma_start3A_117, %dma_start3A_118] : memref<4x64xi32, #tpu.memory_space<vmem>> -> memref<1x32xi32, #tpu.memory_space<vmem>>
    %dma_start3A_120 = tpu.memref_squeeze %dma_start3A_119 : memref<1x32xi32, #tpu.memory_space<vmem>> -> memref<32xi32, #tpu.memory_space<vmem>>
    %dma_start3A_121 = arith.constant 0 : i32
    %dma_start3A_122 = arith.constant 0 : i32
    %dma_start3A_123 = tpu.memref_slice %arg2[%dma_start3A_121, %dma_start3A_122] : memref<16384x1024xf32, #tpu.memory_space<hbm>> -> memref<16384x1024xf32, #tpu.memory_space<hbm>>
    tpu.enqueue_indirect_dma source(%dma_start3A_123 : memref<16384x1024xf32, #tpu.memory_space<hbm>>) target(%arg7 : memref<32x1024xf32, #tpu.memory_space<vmem>>) offsets(%dma_start3A_120 : memref<32xi32, #tpu.memory_space<vmem>>) semaphore(%arg8 : memref<!tpu.dma_semaphore, #tpu.memory_space<semaphore_mem>>)
    %dma_wait3A_124 = arith.constant 2 : i32
    %dma_wait3A_125 = arith.constant 32 : i32
    %dma_wait3A_126 = tpu.memref_slice %arg5[%dma_wait3A_124, %dma_wait3A_125] : memref<4x64xi32, #tpu.memory_space<vmem>> -> memref<1x32xi32, #tpu.memory_space<vmem>>
    %dma_wait3A_127 = tpu.memref_squeeze %dma_wait3A_126 : memref<1x32xi32, #tpu.memory_space<vmem>> -> memref<32xi32, #tpu.memory_space<vmem>>
    %dma_wait3A_128 = arith.constant 0 : i32
    %dma_wait3A_129 = arith.constant 0 : i32
    %dma_wait3A_130 = tpu.memref_slice %arg2[%dma_wait3A_128, %dma_wait3A_129] : memref<16384x1024xf32, #tpu.memory_space<hbm>> -> memref<16384x1024xf32, #tpu.memory_space<hbm>>
    tpu.wait_indirect_dma semaphore(%arg8 : memref<!tpu.dma_semaphore, #tpu.memory_space<semaphore_mem>>) src(%dma_wait3A_130 : memref<16384x1024xf32, #tpu.memory_space<hbm>>) dst(%arg7 : memref<32x1024xf32, #tpu.memory_space<vmem>>)
    %add3A_131 = arith.constant 160 : i32
    %add3A_132 = arith.addi %mul3A_2, %add3A_131 : i32
    %dma_start3A_133 = arith.constant 0 : i32
    %dma_start3A_134 = tpu.memref_slice %arg4[%add3A_132, %dma_start3A_133] : memref<8192x1024xf32, #tpu.memory_space<hbm>> -> memref<32x1024xf32, #tpu.memory_space<hbm>>
    %dma_start3A_135 = arith.constant 0 : i32
    %dma_start3A_136 = tpu.memref_slice %arg4[%add3A_132, %dma_start3A_135] : memref<8192x1024xf32, #tpu.memory_space<hbm>> -> memref<32x1024xf32, #tpu.memory_space<hbm>>
    tpu.enqueue_dma source(%arg7 : memref<32x1024xf32, #tpu.memory_space<vmem>>) target(%dma_start3A_136 : memref<32x1024xf32, #tpu.memory_space<hbm>>) target_semaphore(%arg9 : memref<!tpu.dma_semaphore, #tpu.memory_space<semaphore_mem>>)
    %dma_wait3A_137 = arith.constant 0 : i32
    %dma_wait3A_138 = tpu.memref_slice %arg4[%add3A_108, %dma_wait3A_137] : memref<8192x1024xf32, #tpu.memory_space<hbm>> -> memref<32x1024xf32, #tpu.memory_space<hbm>>
    %dma_wait3A_139 = arith.constant 0 : i32
    %dma_wait3A_140 = tpu.memref_slice %arg4[%add3A_108, %dma_wait3A_139] : memref<8192x1024xf32, #tpu.memory_space<hbm>> -> memref<32x1024xf32, #tpu.memory_space<hbm>>
    tpu.wait_dma2 semaphore(%arg9 : memref<!tpu.dma_semaphore, #tpu.memory_space<semaphore_mem>>) src(%arg6 : memref<32x1024xf32, #tpu.memory_space<vmem>>) dst(%dma_wait3A_140 : memref<32x1024xf32, #tpu.memory_space<hbm>>)
    %dma_start3A_141 = arith.constant 3 : i32
    %dma_start3A_142 = arith.constant 0 : i32
    %dma_start3A_143 = tpu.memref_slice %arg5[%dma_start3A_141, %dma_start3A_142] : memref<4x64xi32, #tpu.memory_space<vmem>> -> memref<1x32xi32, #tpu.memory_space<vmem>>
    %dma_start3A_144 = tpu.memref_squeeze %dma_start3A_143 : memref<1x32xi32, #tpu.memory_space<vmem>> -> memref<32xi32, #tpu.memory_space<vmem>>
    %dma_start3A_145 = arith.constant 0 : i32
    %dma_start3A_146 = arith.constant 0 : i32
    %dma_start3A_147 = tpu.memref_slice %arg2[%dma_start3A_145, %dma_start3A_146] : memref<16384x1024xf32, #tpu.memory_space<hbm>> -> memref<16384x1024xf32, #tpu.memory_space<hbm>>
    tpu.enqueue_indirect_dma source(%dma_start3A_147 : memref<16384x1024xf32, #tpu.memory_space<hbm>>) target(%arg6 : memref<32x1024xf32, #tpu.memory_space<vmem>>) offsets(%dma_start3A_144 : memref<32xi32, #tpu.memory_space<vmem>>) semaphore(%arg8 : memref<!tpu.dma_semaphore, #tpu.memory_space<semaphore_mem>>)
    %dma_wait3A_148 = arith.constant 3 : i32
    %dma_wait3A_149 = arith.constant 0 : i32
    %dma_wait3A_150 = tpu.memref_slice %arg5[%dma_wait3A_148, %dma_wait3A_149] : memref<4x64xi32, #tpu.memory_space<vmem>> -> memref<1x32xi32, #tpu.memory_space<vmem>>
    %dma_wait3A_151 = tpu.memref_squeeze %dma_wait3A_150 : memref<1x32xi32, #tpu.memory_space<vmem>> -> memref<32xi32, #tpu.memory_space<vmem>>
    %dma_wait3A_152 = arith.constant 0 : i32
    %dma_wait3A_153 = arith.constant 0 : i32
    %dma_wait3A_154 = tpu.memref_slice %arg2[%dma_wait3A_152, %dma_wait3A_153] : memref<16384x1024xf32, #tpu.memory_space<hbm>> -> memref<16384x1024xf32, #tpu.memory_space<hbm>>
    tpu.wait_indirect_dma semaphore(%arg8 : memref<!tpu.dma_semaphore, #tpu.memory_space<semaphore_mem>>) src(%dma_wait3A_154 : memref<16384x1024xf32, #tpu.memory_space<hbm>>) dst(%arg6 : memref<32x1024xf32, #tpu.memory_space<vmem>>)
    %add3A_155 = arith.constant 192 : i32
    %add3A_156 = arith.addi %mul3A_2, %add3A_155 : i32
    %dma_start3A_157 = arith.constant 0 : i32
    %dma_start3A_158 = tpu.memref_slice %arg4[%add3A_156, %dma_start3A_157] : memref<8192x1024xf32, #tpu.memory_space<hbm>> -> memref<32x1024xf32, #tpu.memory_space<hbm>>
    %dma_start3A_159 = arith.constant 0 : i32
    %dma_start3A_160 = tpu.memref_slice %arg4[%add3A_156, %dma_start3A_159] : memref<8192x1024xf32, #tpu.memory_space<hbm>> -> memref<32x1024xf32, #tpu.memory_space<hbm>>
    tpu.enqueue_dma source(%arg6 : memref<32x1024xf32, #tpu.memory_space<vmem>>) target(%dma_start3A_160 : memref<32x1024xf32, #tpu.memory_space<hbm>>) target_semaphore(%arg9 : memref<!tpu.dma_semaphore, #tpu.memory_space<semaphore_mem>>)
    %dma_wait3A_161 = arith.constant 0 : i32
    %dma_wait3A_162 = tpu.memref_slice %arg4[%add3A_132, %dma_wait3A_161] : memref<8192x1024xf32, #tpu.memory_space<hbm>> -> memref<32x1024xf32, #tpu.memory_space<hbm>>
    %dma_wait3A_163 = arith.constant 0 : i32
    %dma_wait3A_164 = tpu.memref_slice %arg4[%add3A_132, %dma_wait3A_163] : memref<8192x1024xf32, #tpu.memory_space<hbm>> -> memref<32x1024xf32, #tpu.memory_space<hbm>>
    tpu.wait_dma2 semaphore(%arg9 : memref<!tpu.dma_semaphore, #tpu.memory_space<semaphore_mem>>) src(%arg7 : memref<32x1024xf32, #tpu.memory_space<vmem>>) dst(%dma_wait3A_164 : memref<32x1024xf32, #tpu.memory_space<hbm>>)
    %dma_start3A_165 = arith.constant 3 : i32
    %dma_start3A_166 = arith.constant 32 : i32
    %dma_start3A_167 = tpu.memref_slice %arg5[%dma_start3A_165, %dma_start3A_166] : memref<4x64xi32, #tpu.memory_space<vmem>> -> memref<1x32xi32, #tpu.memory_space<vmem>>
    %dma_start3A_168 = tpu.memref_squeeze %dma_start3A_167 : memref<1x32xi32, #tpu.memory_space<vmem>> -> memref<32xi32, #tpu.memory_space<vmem>>
    %dma_start3A_169 = arith.constant 0 : i32
    %dma_start3A_170 = arith.constant 0 : i32
    %dma_start3A_171 = tpu.memref_slice %arg2[%dma_start3A_169, %dma_start3A_170] : memref<16384x1024xf32, #tpu.memory_space<hbm>> -> memref<16384x1024xf32, #tpu.memory_space<hbm>>
    tpu.enqueue_indirect_dma source(%dma_start3A_171 : memref<16384x1024xf32, #tpu.memory_space<hbm>>) target(%arg7 : memref<32x1024xf32, #tpu.memory_space<vmem>>) offsets(%dma_start3A_168 : memref<32xi32, #tpu.memory_space<vmem>>) semaphore(%arg8 : memref<!tpu.dma_semaphore, #tpu.memory_space<semaphore_mem>>)
    %dma_wait3A_172 = arith.constant 3 : i32
    %dma_wait3A_173 = arith.constant 32 : i32
    %dma_wait3A_174 = tpu.memref_slice %arg5[%dma_wait3A_172, %dma_wait3A_173] : memref<4x64xi32, #tpu.memory_space<vmem>> -> memref<1x32xi32, #tpu.memory_space<vmem>>
    %dma_wait3A_175 = tpu.memref_squeeze %dma_wait3A_174 : memref<1x32xi32, #tpu.memory_space<vmem>> -> memref<32xi32, #tpu.memory_space<vmem>>
    %dma_wait3A_176 = arith.constant 0 : i32
    %dma_wait3A_177 = arith.constant 0 : i32
    %dma_wait3A_178 = tpu.memref_slice %arg2[%dma_wait3A_176, %dma_wait3A_177] : memref<16384x1024xf32, #tpu.memory_space<hbm>> -> memref<16384x1024xf32, #tpu.memory_space<hbm>>
    tpu.wait_indirect_dma semaphore(%arg8 : memref<!tpu.dma_semaphore, #tpu.memory_space<semaphore_mem>>) src(%dma_wait3A_178 : memref<16384x1024xf32, #tpu.memory_space<hbm>>) dst(%arg7 : memref<32x1024xf32, #tpu.memory_space<vmem>>)
    %add3A_179 = arith.constant 224 : i32
    %add3A_180 = arith.addi %mul3A_2, %add3A_179 : i32
    %dma_start3A_181 = arith.constant 0 : i32
    %dma_start3A_182 = tpu.memref_slice %arg4[%add3A_180, %dma_start3A_181] : memref<8192x1024xf32, #tpu.memory_space<hbm>> -> memref<32x1024xf32, #tpu.memory_space<hbm>>
    %dma_start3A_183 = arith.constant 0 : i32
    %dma_start3A_184 = tpu.memref_slice %arg4[%add3A_180, %dma_start3A_183] : memref<8192x1024xf32, #tpu.memory_space<hbm>> -> memref<32x1024xf32, #tpu.memory_space<hbm>>
    tpu.enqueue_dma source(%arg7 : memref<32x1024xf32, #tpu.memory_space<vmem>>) target(%dma_start3A_184 : memref<32x1024xf32, #tpu.memory_space<hbm>>) target_semaphore(%arg9 : memref<!tpu.dma_semaphore, #tpu.memory_space<semaphore_mem>>)
    %dma_wait3A_185 = arith.constant 0 : i32
    %dma_wait3A_186 = tpu.memref_slice %arg4[%add3A_156, %dma_wait3A_185] : memref<8192x1024xf32, #tpu.memory_space<hbm>> -> memref<32x1024xf32, #tpu.memory_space<hbm>>
    %dma_wait3A_187 = arith.constant 0 : i32
    %dma_wait3A_188 = tpu.memref_slice %arg4[%add3A_156, %dma_wait3A_187] : memref<8192x1024xf32, #tpu.memory_space<hbm>> -> memref<32x1024xf32, #tpu.memory_space<hbm>>
    tpu.wait_dma2 semaphore(%arg9 : memref<!tpu.dma_semaphore, #tpu.memory_space<semaphore_mem>>) src(%arg6 : memref<32x1024xf32, #tpu.memory_space<vmem>>) dst(%dma_wait3A_188 : memref<32x1024xf32, #tpu.memory_space<hbm>>)
    %dma_wait3A_189 = arith.constant 0 : i32
    %dma_wait3A_190 = tpu.memref_slice %arg4[%add3A_180, %dma_wait3A_189] : memref<8192x1024xf32, #tpu.memory_space<hbm>> -> memref<32x1024xf32, #tpu.memory_space<hbm>>
    %dma_wait3A_191 = arith.constant 0 : i32
    %dma_wait3A_192 = tpu.memref_slice %arg4[%add3A_180, %dma_wait3A_191] : memref<8192x1024xf32, #tpu.memory_space<hbm>> -> memref<32x1024xf32, #tpu.memory_space<hbm>>
    tpu.wait_dma2 semaphore(%arg9 : memref<!tpu.dma_semaphore, #tpu.memory_space<semaphore_mem>>) src(%arg7 : memref<32x1024xf32, #tpu.memory_space<vmem>>) dst(%dma_wait3A_192 : memref<32x1024xf32, #tpu.memory_space<hbm>>)
    return
  }
}

#map = affine_map<(d0, d1) -> (0, 0)>
#map1 = affine_map<(d0, d1) -> (0, 0, 0)>
module attributes {stable_mosaic.version = 14 : i64} {
  func.func @_dispatch_kernel(%arg0: i32, %arg1: i32, %arg2: memref<8192x512xi32, #tpu.memory_space<hbm>>, %arg3: memref<8x1x1024xi32, #tpu.memory_space<hbm>>, %arg4: memref<1x256xi32, #tpu.memory_space<hbm>>, %arg5: memref<16384x512xi32, #tpu.memory_space<hbm>>, %arg6: memref<32x4x64xi32, #tpu.memory_space<hbm>>, %arg7: memref<256xi32, #tpu.memory_space<vmem>>, %arg8: memref<16xi32, #tpu.memory_space<vmem>>, %arg9: memref<4x64xi32, #tpu.memory_space<vmem>>, %arg10: memref<64x512xi32, #tpu.memory_space<vmem>>, %arg11: memref<64x512xi32, #tpu.memory_space<vmem>>, %arg12: memref<!tpu.dma_semaphore, #tpu.memory_space<semaphore_mem>>, %arg13: memref<!tpu.dma_semaphore, #tpu.memory_space<semaphore_mem>>) attributes {dimension_semantics = [#tpu.dimension_semantics<core_parallel>, #tpu.dimension_semantics<subcore_parallel>], iteration_bounds = array<i64: 2, 16>, scalar_prefetch = 0 : i64, scratch_operands = 7 : i64, tpu.core_type = #tpu.core_type<sc_vector_subcore>, window_params = [{transform_indices = #map}, {transform_indices = #map1}, {transform_indices = #map}, {transform_indices = #map}, {transform_indices = #map1}]} {
    %mul3A = arith.constant 2 : i32
    %mul3A_0 = arith.muli %arg1, %mul3A : i32
    %add3A = arith.addi %mul3A_0, %arg0 : i32
    %mul3A_1 = arith.constant 256 : i32
    %mul3A_2 = arith.muli %add3A, %mul3A_1 : i32
    %jit3A = arith.constant 4 : i32
    %div3A = arith.divsi %add3A, %jit3A : i32
    %sign3A = arith.constant 0 : i32
    %sign3A_3 = arith.cmpi sgt, %add3A, %sign3A : i32
    %sign3A_4 = arith.extui %sign3A_3 : i1 to i32
    %sign3A_5 = arith.constant 0 : i32
    %sign3A_6 = arith.cmpi slt, %add3A, %sign3A_5 : i32
    %sign3A_7 = arith.extui %sign3A_6 : i1 to i32
    %sign3A_8 = arith.subi %sign3A_4, %sign3A_7 : i32
    %sign3A_9 = arith.constant 0 : i32
    %sign3A_10 = arith.cmpi sgt, %jit3A, %sign3A_9 : i32
    %sign3A_11 = arith.extui %sign3A_10 : i1 to i32
    %sign3A_12 = arith.constant 0 : i32
    %sign3A_13 = arith.cmpi slt, %jit3A, %sign3A_12 : i32
    %sign3A_14 = arith.extui %sign3A_13 : i1 to i32
    %sign3A_15 = arith.subi %sign3A_11, %sign3A_14 : i32
    %ne3A = arith.cmpi ne, %sign3A_8, %sign3A_15 : i32
    %rem3A = arith.remsi %add3A, %jit3A : i32
    %ne3A_16 = arith.constant 0 : i32
    %ne3A_17 = arith.cmpi ne, %rem3A, %ne3A_16 : i32
    %and3A = arith.andi %ne3A, %ne3A_17 : i1
    %sub3A = arith.constant 1 : i32
    %sub3A_18 = arith.subi %div3A, %sub3A : i32
    %select_n3A = arith.select %and3A, %sub3A_18, %div3A : i32
    %jit3A_19 = arith.constant 4 : i32
    %eq3A = arith.constant 0 : i32
    %eq3A_20 = arith.cmpi eq, %jit3A_19, %eq3A : i32
    %jit3A_21 = arith.constant 1 : i32
    %select_n3A_22 = arith.select %eq3A_20, %jit3A_21, %jit3A_19 : i32
    %rem3A_23 = arith.remsi %add3A, %select_n3A_22 : i32
    %ne3A_24 = arith.constant 0 : i32
    %ne3A_25 = arith.cmpi ne, %rem3A_23, %ne3A_24 : i32
    %lt3A = arith.constant 0 : i32
    %lt3A_26 = arith.cmpi slt, %rem3A_23, %lt3A : i32
    %lt3A_27 = arith.constant 0 : i32
    %lt3A_28 = arith.cmpi slt, %select_n3A_22, %lt3A_27 : i32
    %ne3A_29 = arith.xori %lt3A_26, %lt3A_28 : i1
    %and3A_30 = arith.andi %ne3A_29, %ne3A_25 : i1
    %add3A_31 = arith.addi %rem3A_23, %select_n3A_22 : i32
    %select_n3A_32 = arith.select %and3A_30, %add3A_31, %rem3A_23 : i32
    %mul3A_33 = arith.constant 256 : i32
    %mul3A_34 = arith.muli %select_n3A_32, %mul3A_33 : i32
    %dma_start3A = arith.constant 0 : i32
    %dma_start3A_35 = tpu.memref_slice %arg2[%mul3A_2, %dma_start3A] : memref<8192x512xi32, #tpu.memory_space<hbm>> -> memref<64x512xi32, #tpu.memory_space<hbm>>
    %dma_start3A_36 = arith.constant 0 : i32
    %dma_start3A_37 = tpu.memref_slice %arg2[%mul3A_2, %dma_start3A_36] : memref<8192x512xi32, #tpu.memory_space<hbm>> -> memref<64x512xi32, #tpu.memory_space<hbm>>
    tpu.enqueue_dma source(%dma_start3A_37 : memref<64x512xi32, #tpu.memory_space<hbm>>) target(%arg10 : memref<64x512xi32, #tpu.memory_space<vmem>>) target_semaphore(%arg12 : memref<!tpu.dma_semaphore, #tpu.memory_space<semaphore_mem>>)
    %run_scoped3A = arith.constant 0 : i32
    "tpu.region"() ({
      %run_scoped3A_348 = tpu.sem_alloc : memref<!tpu.dma_semaphore, #tpu.memory_space<semaphore_mem>>
      %dma_start3A_349 = arith.constant 128 : i32
      %dma_start3A_350 = tpu.memref_slice %arg4[%run_scoped3A, %dma_start3A_349] : memref<1x256xi32, #tpu.memory_space<hbm>> -> memref<1x16xi32, #tpu.memory_space<hbm>>
      %dma_start3A_351 = tpu.memref_squeeze %dma_start3A_350 : memref<1x16xi32, #tpu.memory_space<hbm>> -> memref<16xi32, #tpu.memory_space<hbm>>
      %dma_start3A_352 = arith.constant 128 : i32
      %dma_start3A_353 = tpu.memref_slice %arg4[%run_scoped3A, %dma_start3A_352] : memref<1x256xi32, #tpu.memory_space<hbm>> -> memref<1x16xi32, #tpu.memory_space<hbm>>
      %dma_start3A_354 = tpu.memref_squeeze %dma_start3A_353 : memref<1x16xi32, #tpu.memory_space<hbm>> -> memref<16xi32, #tpu.memory_space<hbm>>
      tpu.enqueue_dma source(%dma_start3A_354 : memref<16xi32, #tpu.memory_space<hbm>>) target(%arg8 : memref<16xi32, #tpu.memory_space<vmem>>) target_semaphore(%run_scoped3A_348 : memref<!tpu.dma_semaphore, #tpu.memory_space<semaphore_mem>>)
      %dma_wait3A_355 = arith.constant 128 : i32
      %dma_wait3A_356 = tpu.memref_slice %arg4[%run_scoped3A, %dma_wait3A_355] : memref<1x256xi32, #tpu.memory_space<hbm>> -> memref<1x16xi32, #tpu.memory_space<hbm>>
      %dma_wait3A_357 = tpu.memref_squeeze %dma_wait3A_356 : memref<1x16xi32, #tpu.memory_space<hbm>> -> memref<16xi32, #tpu.memory_space<hbm>>
      %dma_wait3A_358 = arith.constant 128 : i32
      %dma_wait3A_359 = tpu.memref_slice %arg4[%run_scoped3A, %dma_wait3A_358] : memref<1x256xi32, #tpu.memory_space<hbm>> -> memref<1x16xi32, #tpu.memory_space<hbm>>
      %dma_wait3A_360 = tpu.memref_squeeze %dma_wait3A_359 : memref<1x16xi32, #tpu.memory_space<hbm>> -> memref<16xi32, #tpu.memory_space<hbm>>
      tpu.wait_dma2 semaphore(%run_scoped3A_348 : memref<!tpu.dma_semaphore, #tpu.memory_space<semaphore_mem>>) src(%dma_wait3A_360 : memref<16xi32, #tpu.memory_space<hbm>>) dst(%arg8 : memref<16xi32, #tpu.memory_space<vmem>>)
      tpu.yield
    }) : () -> ()
    %run_scoped3A_38 = arith.constant 0 : i32
    "tpu.region"() ({
      %run_scoped3A_348 = tpu.sem_alloc : memref<!tpu.dma_semaphore, #tpu.memory_space<semaphore_mem>>
      %dma_start3A_349 = tpu.memref_slice %arg3[%select_n3A, %run_scoped3A_38, %mul3A_34] : memref<8x1x1024xi32, #tpu.memory_space<hbm>> -> memref<1x1x256xi32, #tpu.memory_space<hbm>>
      %dma_start3A_350 = tpu.memref_squeeze %dma_start3A_349 : memref<1x1x256xi32, #tpu.memory_space<hbm>> -> memref<256xi32, #tpu.memory_space<hbm>>
      %dma_start3A_351 = tpu.memref_slice %arg3[%select_n3A, %run_scoped3A_38, %mul3A_34] : memref<8x1x1024xi32, #tpu.memory_space<hbm>> -> memref<1x1x256xi32, #tpu.memory_space<hbm>>
      %dma_start3A_352 = tpu.memref_squeeze %dma_start3A_351 : memref<1x1x256xi32, #tpu.memory_space<hbm>> -> memref<256xi32, #tpu.memory_space<hbm>>
      tpu.enqueue_dma source(%dma_start3A_352 : memref<256xi32, #tpu.memory_space<hbm>>) target(%arg7 : memref<256xi32, #tpu.memory_space<vmem>>) target_semaphore(%run_scoped3A_348 : memref<!tpu.dma_semaphore, #tpu.memory_space<semaphore_mem>>)
      %dma_wait3A_353 = tpu.memref_slice %arg3[%select_n3A, %run_scoped3A_38, %mul3A_34] : memref<8x1x1024xi32, #tpu.memory_space<hbm>> -> memref<1x1x256xi32, #tpu.memory_space<hbm>>
      %dma_wait3A_354 = tpu.memref_squeeze %dma_wait3A_353 : memref<1x1x256xi32, #tpu.memory_space<hbm>> -> memref<256xi32, #tpu.memory_space<hbm>>
      %dma_wait3A_355 = tpu.memref_slice %arg3[%select_n3A, %run_scoped3A_38, %mul3A_34] : memref<8x1x1024xi32, #tpu.memory_space<hbm>> -> memref<1x1x256xi32, #tpu.memory_space<hbm>>
      %dma_wait3A_356 = tpu.memref_squeeze %dma_wait3A_355 : memref<1x1x256xi32, #tpu.memory_space<hbm>> -> memref<256xi32, #tpu.memory_space<hbm>>
      tpu.wait_dma2 semaphore(%run_scoped3A_348 : memref<!tpu.dma_semaphore, #tpu.memory_space<semaphore_mem>>) src(%dma_wait3A_356 : memref<256xi32, #tpu.memory_space<hbm>>) dst(%arg7 : memref<256xi32, #tpu.memory_space<vmem>>)
      tpu.yield
    }) : () -> ()
    %get3A = arith.constant 0 : index
    %get3A_39 = tpu.vector_load %arg7[%get3A] {strides = array<i32>} : memref<256xi32, #tpu.memory_space<vmem>>, vector<16xi32>,
    %shift_right_arithmetic3A = arith.constant 16 : i32
    %shift_right_arithmetic3A_40 = vector.broadcast %shift_right_arithmetic3A : i32 to vector<16xi32>
    %shift_right_arithmetic3A_41 = arith.shrsi %get3A_39, %shift_right_arithmetic3A_40 : vector<16xi32>
    %gather3A = tpu.vector_load_idx %arg8[%shift_right_arithmetic3A_41] : memref<16xi32, #tpu.memory_space<vmem>>[vector<16xi32>], vector<16xi32>,
    %and3A_42 = arith.constant 65535 : i32
    %and3A_43 = vector.broadcast %and3A_42 : i32 to vector<16xi32>
    %and3A_44 = arith.andi %get3A_39, %and3A_43 : vector<16xi32>
    %add3A_45 = arith.addi %gather3A, %and3A_44 : vector<16xi32>
    %swap3A = arith.constant 0 : i32
    %swap3A_46 = arith.index_cast %swap3A : i32 to index
    %swap3A_47 = arith.constant 0 : index
    %swap3A_48 = tpu.vector_load %arg9[%swap3A_46, %swap3A_47] {strides = array<i32>} : memref<4x64xi32, #tpu.memory_space<vmem>>, vector<16xi32>,
    tpu.vector_store %arg9[%swap3A_46, %swap3A_47], %add3A_45 {strides = array<i32>} : memref<4x64xi32, #tpu.memory_space<vmem>>, vector<16xi32>,
    %get3A_49 = arith.constant 16 : index
    %get3A_50 = tpu.vector_load %arg7[%get3A_49] {strides = array<i32>} : memref<256xi32, #tpu.memory_space<vmem>>, vector<16xi32>,
    %shift_right_arithmetic3A_51 = arith.constant 16 : i32
    %shift_right_arithmetic3A_52 = vector.broadcast %shift_right_arithmetic3A_51 : i32 to vector<16xi32>
    %shift_right_arithmetic3A_53 = arith.shrsi %get3A_50, %shift_right_arithmetic3A_52 : vector<16xi32>
    %gather3A_54 = tpu.vector_load_idx %arg8[%shift_right_arithmetic3A_53] : memref<16xi32, #tpu.memory_space<vmem>>[vector<16xi32>], vector<16xi32>,
    %and3A_55 = arith.constant 65535 : i32
    %and3A_56 = vector.broadcast %and3A_55 : i32 to vector<16xi32>
    %and3A_57 = arith.andi %get3A_50, %and3A_56 : vector<16xi32>
    %add3A_58 = arith.addi %gather3A_54, %and3A_57 : vector<16xi32>
    %swap3A_59 = arith.constant 0 : i32
    %swap3A_60 = arith.index_cast %swap3A_59 : i32 to index
    %swap3A_61 = arith.constant 16 : index
    %swap3A_62 = tpu.vector_load %arg9[%swap3A_60, %swap3A_61] {strides = array<i32>} : memref<4x64xi32, #tpu.memory_space<vmem>>, vector<16xi32>,
    tpu.vector_store %arg9[%swap3A_60, %swap3A_61], %add3A_58 {strides = array<i32>} : memref<4x64xi32, #tpu.memory_space<vmem>>, vector<16xi32>,
    %get3A_63 = arith.constant 32 : index
    %get3A_64 = tpu.vector_load %arg7[%get3A_63] {strides = array<i32>} : memref<256xi32, #tpu.memory_space<vmem>>, vector<16xi32>,
    %shift_right_arithmetic3A_65 = arith.constant 16 : i32
    %shift_right_arithmetic3A_66 = vector.broadcast %shift_right_arithmetic3A_65 : i32 to vector<16xi32>
    %shift_right_arithmetic3A_67 = arith.shrsi %get3A_64, %shift_right_arithmetic3A_66 : vector<16xi32>
    %gather3A_68 = tpu.vector_load_idx %arg8[%shift_right_arithmetic3A_67] : memref<16xi32, #tpu.memory_space<vmem>>[vector<16xi32>], vector<16xi32>,
    %and3A_69 = arith.constant 65535 : i32
    %and3A_70 = vector.broadcast %and3A_69 : i32 to vector<16xi32>
    %and3A_71 = arith.andi %get3A_64, %and3A_70 : vector<16xi32>
    %add3A_72 = arith.addi %gather3A_68, %and3A_71 : vector<16xi32>
    %swap3A_73 = arith.constant 0 : i32
    %swap3A_74 = arith.index_cast %swap3A_73 : i32 to index
    %swap3A_75 = arith.constant 32 : index
    %swap3A_76 = tpu.vector_load %arg9[%swap3A_74, %swap3A_75] {strides = array<i32>} : memref<4x64xi32, #tpu.memory_space<vmem>>, vector<16xi32>,
    tpu.vector_store %arg9[%swap3A_74, %swap3A_75], %add3A_72 {strides = array<i32>} : memref<4x64xi32, #tpu.memory_space<vmem>>, vector<16xi32>,
    %get3A_77 = arith.constant 48 : index
    %get3A_78 = tpu.vector_load %arg7[%get3A_77] {strides = array<i32>} : memref<256xi32, #tpu.memory_space<vmem>>, vector<16xi32>,
    %shift_right_arithmetic3A_79 = arith.constant 16 : i32
    %shift_right_arithmetic3A_80 = vector.broadcast %shift_right_arithmetic3A_79 : i32 to vector<16xi32>
    %shift_right_arithmetic3A_81 = arith.shrsi %get3A_78, %shift_right_arithmetic3A_80 : vector<16xi32>
    %gather3A_82 = tpu.vector_load_idx %arg8[%shift_right_arithmetic3A_81] : memref<16xi32, #tpu.memory_space<vmem>>[vector<16xi32>], vector<16xi32>,
    %and3A_83 = arith.constant 65535 : i32
    %and3A_84 = vector.broadcast %and3A_83 : i32 to vector<16xi32>
    %and3A_85 = arith.andi %get3A_78, %and3A_84 : vector<16xi32>
    %add3A_86 = arith.addi %gather3A_82, %and3A_85 : vector<16xi32>
    %swap3A_87 = arith.constant 0 : i32
    %swap3A_88 = arith.index_cast %swap3A_87 : i32 to index
    %swap3A_89 = arith.constant 48 : index
    %swap3A_90 = tpu.vector_load %arg9[%swap3A_88, %swap3A_89] {strides = array<i32>} : memref<4x64xi32, #tpu.memory_space<vmem>>, vector<16xi32>,
    tpu.vector_store %arg9[%swap3A_88, %swap3A_89], %add3A_86 {strides = array<i32>} : memref<4x64xi32, #tpu.memory_space<vmem>>, vector<16xi32>,
    %get3A_91 = arith.constant 64 : index
    %get3A_92 = tpu.vector_load %arg7[%get3A_91] {strides = array<i32>} : memref<256xi32, #tpu.memory_space<vmem>>, vector<16xi32>,
    %shift_right_arithmetic3A_93 = arith.constant 16 : i32
    %shift_right_arithmetic3A_94 = vector.broadcast %shift_right_arithmetic3A_93 : i32 to vector<16xi32>
    %shift_right_arithmetic3A_95 = arith.shrsi %get3A_92, %shift_right_arithmetic3A_94 : vector<16xi32>
    %gather3A_96 = tpu.vector_load_idx %arg8[%shift_right_arithmetic3A_95] : memref<16xi32, #tpu.memory_space<vmem>>[vector<16xi32>], vector<16xi32>,
    %and3A_97 = arith.constant 65535 : i32
    %and3A_98 = vector.broadcast %and3A_97 : i32 to vector<16xi32>
    %and3A_99 = arith.andi %get3A_92, %and3A_98 : vector<16xi32>
    %add3A_100 = arith.addi %gather3A_96, %and3A_99 : vector<16xi32>
    %swap3A_101 = arith.constant 1 : i32
    %swap3A_102 = arith.index_cast %swap3A_101 : i32 to index
    %swap3A_103 = arith.constant 0 : index
    %swap3A_104 = tpu.vector_load %arg9[%swap3A_102, %swap3A_103] {strides = array<i32>} : memref<4x64xi32, #tpu.memory_space<vmem>>, vector<16xi32>,
    tpu.vector_store %arg9[%swap3A_102, %swap3A_103], %add3A_100 {strides = array<i32>} : memref<4x64xi32, #tpu.memory_space<vmem>>, vector<16xi32>,
    %get3A_105 = arith.constant 80 : index
    %get3A_106 = tpu.vector_load %arg7[%get3A_105] {strides = array<i32>} : memref<256xi32, #tpu.memory_space<vmem>>, vector<16xi32>,
    %shift_right_arithmetic3A_107 = arith.constant 16 : i32
    %shift_right_arithmetic3A_108 = vector.broadcast %shift_right_arithmetic3A_107 : i32 to vector<16xi32>
    %shift_right_arithmetic3A_109 = arith.shrsi %get3A_106, %shift_right_arithmetic3A_108 : vector<16xi32>
    %gather3A_110 = tpu.vector_load_idx %arg8[%shift_right_arithmetic3A_109] : memref<16xi32, #tpu.memory_space<vmem>>[vector<16xi32>], vector<16xi32>,
    %and3A_111 = arith.constant 65535 : i32
    %and3A_112 = vector.broadcast %and3A_111 : i32 to vector<16xi32>
    %and3A_113 = arith.andi %get3A_106, %and3A_112 : vector<16xi32>
    %add3A_114 = arith.addi %gather3A_110, %and3A_113 : vector<16xi32>
    %swap3A_115 = arith.constant 1 : i32
    %swap3A_116 = arith.index_cast %swap3A_115 : i32 to index
    %swap3A_117 = arith.constant 16 : index
    %swap3A_118 = tpu.vector_load %arg9[%swap3A_116, %swap3A_117] {strides = array<i32>} : memref<4x64xi32, #tpu.memory_space<vmem>>, vector<16xi32>,
    tpu.vector_store %arg9[%swap3A_116, %swap3A_117], %add3A_114 {strides = array<i32>} : memref<4x64xi32, #tpu.memory_space<vmem>>, vector<16xi32>,
    %get3A_119 = arith.constant 96 : index
    %get3A_120 = tpu.vector_load %arg7[%get3A_119] {strides = array<i32>} : memref<256xi32, #tpu.memory_space<vmem>>, vector<16xi32>,
    %shift_right_arithmetic3A_121 = arith.constant 16 : i32
    %shift_right_arithmetic3A_122 = vector.broadcast %shift_right_arithmetic3A_121 : i32 to vector<16xi32>
    %shift_right_arithmetic3A_123 = arith.shrsi %get3A_120, %shift_right_arithmetic3A_122 : vector<16xi32>
    %gather3A_124 = tpu.vector_load_idx %arg8[%shift_right_arithmetic3A_123] : memref<16xi32, #tpu.memory_space<vmem>>[vector<16xi32>], vector<16xi32>,
    %and3A_125 = arith.constant 65535 : i32
    %and3A_126 = vector.broadcast %and3A_125 : i32 to vector<16xi32>
    %and3A_127 = arith.andi %get3A_120, %and3A_126 : vector<16xi32>
    %add3A_128 = arith.addi %gather3A_124, %and3A_127 : vector<16xi32>
    %swap3A_129 = arith.constant 1 : i32
    %swap3A_130 = arith.index_cast %swap3A_129 : i32 to index
    %swap3A_131 = arith.constant 32 : index
    %swap3A_132 = tpu.vector_load %arg9[%swap3A_130, %swap3A_131] {strides = array<i32>} : memref<4x64xi32, #tpu.memory_space<vmem>>, vector<16xi32>,
    tpu.vector_store %arg9[%swap3A_130, %swap3A_131], %add3A_128 {strides = array<i32>} : memref<4x64xi32, #tpu.memory_space<vmem>>, vector<16xi32>,
    %get3A_133 = arith.constant 112 : index
    %get3A_134 = tpu.vector_load %arg7[%get3A_133] {strides = array<i32>} : memref<256xi32, #tpu.memory_space<vmem>>, vector<16xi32>,
    %shift_right_arithmetic3A_135 = arith.constant 16 : i32
    %shift_right_arithmetic3A_136 = vector.broadcast %shift_right_arithmetic3A_135 : i32 to vector<16xi32>
    %shift_right_arithmetic3A_137 = arith.shrsi %get3A_134, %shift_right_arithmetic3A_136 : vector<16xi32>
    %gather3A_138 = tpu.vector_load_idx %arg8[%shift_right_arithmetic3A_137] : memref<16xi32, #tpu.memory_space<vmem>>[vector<16xi32>], vector<16xi32>,
    %and3A_139 = arith.constant 65535 : i32
    %and3A_140 = vector.broadcast %and3A_139 : i32 to vector<16xi32>
    %and3A_141 = arith.andi %get3A_134, %and3A_140 : vector<16xi32>
    %add3A_142 = arith.addi %gather3A_138, %and3A_141 : vector<16xi32>
    %swap3A_143 = arith.constant 1 : i32
    %swap3A_144 = arith.index_cast %swap3A_143 : i32 to index
    %swap3A_145 = arith.constant 48 : index
    %swap3A_146 = tpu.vector_load %arg9[%swap3A_144, %swap3A_145] {strides = array<i32>} : memref<4x64xi32, #tpu.memory_space<vmem>>, vector<16xi32>,
    tpu.vector_store %arg9[%swap3A_144, %swap3A_145], %add3A_142 {strides = array<i32>} : memref<4x64xi32, #tpu.memory_space<vmem>>, vector<16xi32>,
    %get3A_147 = arith.constant 128 : index
    %get3A_148 = tpu.vector_load %arg7[%get3A_147] {strides = array<i32>} : memref<256xi32, #tpu.memory_space<vmem>>, vector<16xi32>,
    %shift_right_arithmetic3A_149 = arith.constant 16 : i32
    %shift_right_arithmetic3A_150 = vector.broadcast %shift_right_arithmetic3A_149 : i32 to vector<16xi32>
    %shift_right_arithmetic3A_151 = arith.shrsi %get3A_148, %shift_right_arithmetic3A_150 : vector<16xi32>
    %gather3A_152 = tpu.vector_load_idx %arg8[%shift_right_arithmetic3A_151] : memref<16xi32, #tpu.memory_space<vmem>>[vector<16xi32>], vector<16xi32>,
    %and3A_153 = arith.constant 65535 : i32
    %and3A_154 = vector.broadcast %and3A_153 : i32 to vector<16xi32>
    %and3A_155 = arith.andi %get3A_148, %and3A_154 : vector<16xi32>
    %add3A_156 = arith.addi %gather3A_152, %and3A_155 : vector<16xi32>
    %swap3A_157 = arith.constant 2 : i32
    %swap3A_158 = arith.index_cast %swap3A_157 : i32 to index
    %swap3A_159 = arith.constant 0 : index
    %swap3A_160 = tpu.vector_load %arg9[%swap3A_158, %swap3A_159] {strides = array<i32>} : memref<4x64xi32, #tpu.memory_space<vmem>>, vector<16xi32>,
    tpu.vector_store %arg9[%swap3A_158, %swap3A_159], %add3A_156 {strides = array<i32>} : memref<4x64xi32, #tpu.memory_space<vmem>>, vector<16xi32>,
    %get3A_161 = arith.constant 144 : index
    %get3A_162 = tpu.vector_load %arg7[%get3A_161] {strides = array<i32>} : memref<256xi32, #tpu.memory_space<vmem>>, vector<16xi32>,
    %shift_right_arithmetic3A_163 = arith.constant 16 : i32
    %shift_right_arithmetic3A_164 = vector.broadcast %shift_right_arithmetic3A_163 : i32 to vector<16xi32>
    %shift_right_arithmetic3A_165 = arith.shrsi %get3A_162, %shift_right_arithmetic3A_164 : vector<16xi32>
    %gather3A_166 = tpu.vector_load_idx %arg8[%shift_right_arithmetic3A_165] : memref<16xi32, #tpu.memory_space<vmem>>[vector<16xi32>], vector<16xi32>,
    %and3A_167 = arith.constant 65535 : i32
    %and3A_168 = vector.broadcast %and3A_167 : i32 to vector<16xi32>
    %and3A_169 = arith.andi %get3A_162, %and3A_168 : vector<16xi32>
    %add3A_170 = arith.addi %gather3A_166, %and3A_169 : vector<16xi32>
    %swap3A_171 = arith.constant 2 : i32
    %swap3A_172 = arith.index_cast %swap3A_171 : i32 to index
    %swap3A_173 = arith.constant 16 : index
    %swap3A_174 = tpu.vector_load %arg9[%swap3A_172, %swap3A_173] {strides = array<i32>} : memref<4x64xi32, #tpu.memory_space<vmem>>, vector<16xi32>,
    tpu.vector_store %arg9[%swap3A_172, %swap3A_173], %add3A_170 {strides = array<i32>} : memref<4x64xi32, #tpu.memory_space<vmem>>, vector<16xi32>,
    %get3A_175 = arith.constant 160 : index
    %get3A_176 = tpu.vector_load %arg7[%get3A_175] {strides = array<i32>} : memref<256xi32, #tpu.memory_space<vmem>>, vector<16xi32>,
    %shift_right_arithmetic3A_177 = arith.constant 16 : i32
    %shift_right_arithmetic3A_178 = vector.broadcast %shift_right_arithmetic3A_177 : i32 to vector<16xi32>
    %shift_right_arithmetic3A_179 = arith.shrsi %get3A_176, %shift_right_arithmetic3A_178 : vector<16xi32>
    %gather3A_180 = tpu.vector_load_idx %arg8[%shift_right_arithmetic3A_179] : memref<16xi32, #tpu.memory_space<vmem>>[vector<16xi32>], vector<16xi32>,
    %and3A_181 = arith.constant 65535 : i32
    %and3A_182 = vector.broadcast %and3A_181 : i32 to vector<16xi32>
    %and3A_183 = arith.andi %get3A_176, %and3A_182 : vector<16xi32>
    %add3A_184 = arith.addi %gather3A_180, %and3A_183 : vector<16xi32>
    %swap3A_185 = arith.constant 2 : i32
    %swap3A_186 = arith.index_cast %swap3A_185 : i32 to index
    %swap3A_187 = arith.constant 32 : index
    %swap3A_188 = tpu.vector_load %arg9[%swap3A_186, %swap3A_187] {strides = array<i32>} : memref<4x64xi32, #tpu.memory_space<vmem>>, vector<16xi32>,
    tpu.vector_store %arg9[%swap3A_186, %swap3A_187], %add3A_184 {strides = array<i32>} : memref<4x64xi32, #tpu.memory_space<vmem>>, vector<16xi32>,
    %get3A_189 = arith.constant 176 : index
    %get3A_190 = tpu.vector_load %arg7[%get3A_189] {strides = array<i32>} : memref<256xi32, #tpu.memory_space<vmem>>, vector<16xi32>,
    %shift_right_arithmetic3A_191 = arith.constant 16 : i32
    %shift_right_arithmetic3A_192 = vector.broadcast %shift_right_arithmetic3A_191 : i32 to vector<16xi32>
    %shift_right_arithmetic3A_193 = arith.shrsi %get3A_190, %shift_right_arithmetic3A_192 : vector<16xi32>
    %gather3A_194 = tpu.vector_load_idx %arg8[%shift_right_arithmetic3A_193] : memref<16xi32, #tpu.memory_space<vmem>>[vector<16xi32>], vector<16xi32>,
    %and3A_195 = arith.constant 65535 : i32
    %and3A_196 = vector.broadcast %and3A_195 : i32 to vector<16xi32>
    %and3A_197 = arith.andi %get3A_190, %and3A_196 : vector<16xi32>
    %add3A_198 = arith.addi %gather3A_194, %and3A_197 : vector<16xi32>
    %swap3A_199 = arith.constant 2 : i32
    %swap3A_200 = arith.index_cast %swap3A_199 : i32 to index
    %swap3A_201 = arith.constant 48 : index
    %swap3A_202 = tpu.vector_load %arg9[%swap3A_200, %swap3A_201] {strides = array<i32>} : memref<4x64xi32, #tpu.memory_space<vmem>>, vector<16xi32>,
    tpu.vector_store %arg9[%swap3A_200, %swap3A_201], %add3A_198 {strides = array<i32>} : memref<4x64xi32, #tpu.memory_space<vmem>>, vector<16xi32>,
    %get3A_203 = arith.constant 192 : index
    %get3A_204 = tpu.vector_load %arg7[%get3A_203] {strides = array<i32>} : memref<256xi32, #tpu.memory_space<vmem>>, vector<16xi32>,
    %shift_right_arithmetic3A_205 = arith.constant 16 : i32
    %shift_right_arithmetic3A_206 = vector.broadcast %shift_right_arithmetic3A_205 : i32 to vector<16xi32>
    %shift_right_arithmetic3A_207 = arith.shrsi %get3A_204, %shift_right_arithmetic3A_206 : vector<16xi32>
    %gather3A_208 = tpu.vector_load_idx %arg8[%shift_right_arithmetic3A_207] : memref<16xi32, #tpu.memory_space<vmem>>[vector<16xi32>], vector<16xi32>,
    %and3A_209 = arith.constant 65535 : i32
    %and3A_210 = vector.broadcast %and3A_209 : i32 to vector<16xi32>
    %and3A_211 = arith.andi %get3A_204, %and3A_210 : vector<16xi32>
    %add3A_212 = arith.addi %gather3A_208, %and3A_211 : vector<16xi32>
    %swap3A_213 = arith.constant 3 : i32
    %swap3A_214 = arith.index_cast %swap3A_213 : i32 to index
    %swap3A_215 = arith.constant 0 : index
    %swap3A_216 = tpu.vector_load %arg9[%swap3A_214, %swap3A_215] {strides = array<i32>} : memref<4x64xi32, #tpu.memory_space<vmem>>, vector<16xi32>,
    tpu.vector_store %arg9[%swap3A_214, %swap3A_215], %add3A_212 {strides = array<i32>} : memref<4x64xi32, #tpu.memory_space<vmem>>, vector<16xi32>,
    %get3A_217 = arith.constant 208 : index
    %get3A_218 = tpu.vector_load %arg7[%get3A_217] {strides = array<i32>} : memref<256xi32, #tpu.memory_space<vmem>>, vector<16xi32>,
    %shift_right_arithmetic3A_219 = arith.constant 16 : i32
    %shift_right_arithmetic3A_220 = vector.broadcast %shift_right_arithmetic3A_219 : i32 to vector<16xi32>
    %shift_right_arithmetic3A_221 = arith.shrsi %get3A_218, %shift_right_arithmetic3A_220 : vector<16xi32>
    %gather3A_222 = tpu.vector_load_idx %arg8[%shift_right_arithmetic3A_221] : memref<16xi32, #tpu.memory_space<vmem>>[vector<16xi32>], vector<16xi32>,
    %and3A_223 = arith.constant 65535 : i32
    %and3A_224 = vector.broadcast %and3A_223 : i32 to vector<16xi32>
    %and3A_225 = arith.andi %get3A_218, %and3A_224 : vector<16xi32>
    %add3A_226 = arith.addi %gather3A_222, %and3A_225 : vector<16xi32>
    %swap3A_227 = arith.constant 3 : i32
    %swap3A_228 = arith.index_cast %swap3A_227 : i32 to index
    %swap3A_229 = arith.constant 16 : index
    %swap3A_230 = tpu.vector_load %arg9[%swap3A_228, %swap3A_229] {strides = array<i32>} : memref<4x64xi32, #tpu.memory_space<vmem>>, vector<16xi32>,
    tpu.vector_store %arg9[%swap3A_228, %swap3A_229], %add3A_226 {strides = array<i32>} : memref<4x64xi32, #tpu.memory_space<vmem>>, vector<16xi32>,
    %get3A_231 = arith.constant 224 : index
    %get3A_232 = tpu.vector_load %arg7[%get3A_231] {strides = array<i32>} : memref<256xi32, #tpu.memory_space<vmem>>, vector<16xi32>,
    %shift_right_arithmetic3A_233 = arith.constant 16 : i32
    %shift_right_arithmetic3A_234 = vector.broadcast %shift_right_arithmetic3A_233 : i32 to vector<16xi32>
    %shift_right_arithmetic3A_235 = arith.shrsi %get3A_232, %shift_right_arithmetic3A_234 : vector<16xi32>
    %gather3A_236 = tpu.vector_load_idx %arg8[%shift_right_arithmetic3A_235] : memref<16xi32, #tpu.memory_space<vmem>>[vector<16xi32>], vector<16xi32>,
    %and3A_237 = arith.constant 65535 : i32
    %and3A_238 = vector.broadcast %and3A_237 : i32 to vector<16xi32>
    %and3A_239 = arith.andi %get3A_232, %and3A_238 : vector<16xi32>
    %add3A_240 = arith.addi %gather3A_236, %and3A_239 : vector<16xi32>
    %swap3A_241 = arith.constant 3 : i32
    %swap3A_242 = arith.index_cast %swap3A_241 : i32 to index
    %swap3A_243 = arith.constant 32 : index
    %swap3A_244 = tpu.vector_load %arg9[%swap3A_242, %swap3A_243] {strides = array<i32>} : memref<4x64xi32, #tpu.memory_space<vmem>>, vector<16xi32>,
    tpu.vector_store %arg9[%swap3A_242, %swap3A_243], %add3A_240 {strides = array<i32>} : memref<4x64xi32, #tpu.memory_space<vmem>>, vector<16xi32>,
    %get3A_245 = arith.constant 240 : index
    %get3A_246 = tpu.vector_load %arg7[%get3A_245] {strides = array<i32>} : memref<256xi32, #tpu.memory_space<vmem>>, vector<16xi32>,
    %shift_right_arithmetic3A_247 = arith.constant 16 : i32
    %shift_right_arithmetic3A_248 = vector.broadcast %shift_right_arithmetic3A_247 : i32 to vector<16xi32>
    %shift_right_arithmetic3A_249 = arith.shrsi %get3A_246, %shift_right_arithmetic3A_248 : vector<16xi32>
    %gather3A_250 = tpu.vector_load_idx %arg8[%shift_right_arithmetic3A_249] : memref<16xi32, #tpu.memory_space<vmem>>[vector<16xi32>], vector<16xi32>,
    %and3A_251 = arith.constant 65535 : i32
    %and3A_252 = vector.broadcast %and3A_251 : i32 to vector<16xi32>
    %and3A_253 = arith.andi %get3A_246, %and3A_252 : vector<16xi32>
    %add3A_254 = arith.addi %gather3A_250, %and3A_253 : vector<16xi32>
    %swap3A_255 = arith.constant 3 : i32
    %swap3A_256 = arith.index_cast %swap3A_255 : i32 to index
    %swap3A_257 = arith.constant 48 : index
    %swap3A_258 = tpu.vector_load %arg9[%swap3A_256, %swap3A_257] {strides = array<i32>} : memref<4x64xi32, #tpu.memory_space<vmem>>, vector<16xi32>,
    tpu.vector_store %arg9[%swap3A_256, %swap3A_257], %add3A_254 {strides = array<i32>} : memref<4x64xi32, #tpu.memory_space<vmem>>, vector<16xi32>,
    %dma_wait3A = arith.constant 0 : i32
    %dma_wait3A_259 = tpu.memref_slice %arg2[%mul3A_2, %dma_wait3A] : memref<8192x512xi32, #tpu.memory_space<hbm>> -> memref<64x512xi32, #tpu.memory_space<hbm>>
    %dma_wait3A_260 = arith.constant 0 : i32
    %dma_wait3A_261 = tpu.memref_slice %arg2[%mul3A_2, %dma_wait3A_260] : memref<8192x512xi32, #tpu.memory_space<hbm>> -> memref<64x512xi32, #tpu.memory_space<hbm>>
    tpu.wait_dma2 semaphore(%arg12 : memref<!tpu.dma_semaphore, #tpu.memory_space<semaphore_mem>>) src(%dma_wait3A_261 : memref<64x512xi32, #tpu.memory_space<hbm>>) dst(%arg10 : memref<64x512xi32, #tpu.memory_space<vmem>>)
    %dma_start3A_262 = arith.constant 0 : i32
    %dma_start3A_263 = arith.constant 0 : i32
    %dma_start3A_264 = tpu.memref_slice %arg9[%dma_start3A_262, %dma_start3A_263] : memref<4x64xi32, #tpu.memory_space<vmem>> -> memref<1x64xi32, #tpu.memory_space<vmem>>
    %dma_start3A_265 = tpu.memref_squeeze %dma_start3A_264 : memref<1x64xi32, #tpu.memory_space<vmem>> -> memref<64xi32, #tpu.memory_space<vmem>>
    %dma_start3A_266 = arith.constant 0 : i32
    %dma_start3A_267 = arith.constant 0 : i32
    %dma_start3A_268 = tpu.memref_slice %arg5[%dma_start3A_266, %dma_start3A_267] : memref<16384x512xi32, #tpu.memory_space<hbm>> -> memref<16384x512xi32, #tpu.memory_space<hbm>>
    tpu.enqueue_indirect_dma source(%arg10 : memref<64x512xi32, #tpu.memory_space<vmem>>) target(%dma_start3A_268 : memref<16384x512xi32, #tpu.memory_space<hbm>>) offsets(%dma_start3A_265 : memref<64xi32, #tpu.memory_space<vmem>>) semaphore(%arg13 : memref<!tpu.dma_semaphore, #tpu.memory_space<semaphore_mem>>)
    %add3A_269 = arith.constant 64 : i32
    %add3A_270 = arith.addi %mul3A_2, %add3A_269 : i32
    %dma_start3A_271 = arith.constant 0 : i32
    %dma_start3A_272 = tpu.memref_slice %arg2[%add3A_270, %dma_start3A_271] : memref<8192x512xi32, #tpu.memory_space<hbm>> -> memref<64x512xi32, #tpu.memory_space<hbm>>
    %dma_start3A_273 = arith.constant 0 : i32
    %dma_start3A_274 = tpu.memref_slice %arg2[%add3A_270, %dma_start3A_273] : memref<8192x512xi32, #tpu.memory_space<hbm>> -> memref<64x512xi32, #tpu.memory_space<hbm>>
    tpu.enqueue_dma source(%dma_start3A_274 : memref<64x512xi32, #tpu.memory_space<hbm>>) target(%arg11 : memref<64x512xi32, #tpu.memory_space<vmem>>) target_semaphore(%arg12 : memref<!tpu.dma_semaphore, #tpu.memory_space<semaphore_mem>>)
    %dma_wait3A_275 = arith.constant 0 : i32
    %dma_wait3A_276 = tpu.memref_slice %arg2[%add3A_270, %dma_wait3A_275] : memref<8192x512xi32, #tpu.memory_space<hbm>> -> memref<64x512xi32, #tpu.memory_space<hbm>>
    %dma_wait3A_277 = arith.constant 0 : i32
    %dma_wait3A_278 = tpu.memref_slice %arg2[%add3A_270, %dma_wait3A_277] : memref<8192x512xi32, #tpu.memory_space<hbm>> -> memref<64x512xi32, #tpu.memory_space<hbm>>
    tpu.wait_dma2 semaphore(%arg12 : memref<!tpu.dma_semaphore, #tpu.memory_space<semaphore_mem>>) src(%dma_wait3A_278 : memref<64x512xi32, #tpu.memory_space<hbm>>) dst(%arg11 : memref<64x512xi32, #tpu.memory_space<vmem>>)
    %dma_start3A_279 = arith.constant 1 : i32
    %dma_start3A_280 = arith.constant 0 : i32
    %dma_start3A_281 = tpu.memref_slice %arg9[%dma_start3A_279, %dma_start3A_280] : memref<4x64xi32, #tpu.memory_space<vmem>> -> memref<1x64xi32, #tpu.memory_space<vmem>>
    %dma_start3A_282 = tpu.memref_squeeze %dma_start3A_281 : memref<1x64xi32, #tpu.memory_space<vmem>> -> memref<64xi32, #tpu.memory_space<vmem>>
    %dma_start3A_283 = arith.constant 0 : i32
    %dma_start3A_284 = arith.constant 0 : i32
    %dma_start3A_285 = tpu.memref_slice %arg5[%dma_start3A_283, %dma_start3A_284] : memref<16384x512xi32, #tpu.memory_space<hbm>> -> memref<16384x512xi32, #tpu.memory_space<hbm>>
    tpu.enqueue_indirect_dma source(%arg11 : memref<64x512xi32, #tpu.memory_space<vmem>>) target(%dma_start3A_285 : memref<16384x512xi32, #tpu.memory_space<hbm>>) offsets(%dma_start3A_282 : memref<64xi32, #tpu.memory_space<vmem>>) semaphore(%arg13 : memref<!tpu.dma_semaphore, #tpu.memory_space<semaphore_mem>>)
    %dma_wait3A_286 = arith.constant 0 : i32
    %dma_wait3A_287 = arith.constant 0 : i32
    %dma_wait3A_288 = tpu.memref_slice %arg9[%dma_wait3A_286, %dma_wait3A_287] : memref<4x64xi32, #tpu.memory_space<vmem>> -> memref<1x64xi32, #tpu.memory_space<vmem>>
    %dma_wait3A_289 = tpu.memref_squeeze %dma_wait3A_288 : memref<1x64xi32, #tpu.memory_space<vmem>> -> memref<64xi32, #tpu.memory_space<vmem>>
    %dma_wait3A_290 = arith.constant 0 : i32
    %dma_wait3A_291 = arith.constant 0 : i32
    %dma_wait3A_292 = tpu.memref_slice %arg5[%dma_wait3A_290, %dma_wait3A_291] : memref<16384x512xi32, #tpu.memory_space<hbm>> -> memref<16384x512xi32, #tpu.memory_space<hbm>>
    tpu.wait_indirect_dma semaphore(%arg13 : memref<!tpu.dma_semaphore, #tpu.memory_space<semaphore_mem>>) src(%arg10 : memref<64x512xi32, #tpu.memory_space<vmem>>) dst(%dma_wait3A_292 : memref<16384x512xi32, #tpu.memory_space<hbm>>)
    %add3A_293 = arith.constant 128 : i32
    %add3A_294 = arith.addi %mul3A_2, %add3A_293 : i32
    %dma_start3A_295 = arith.constant 0 : i32
    %dma_start3A_296 = tpu.memref_slice %arg2[%add3A_294, %dma_start3A_295] : memref<8192x512xi32, #tpu.memory_space<hbm>> -> memref<64x512xi32, #tpu.memory_space<hbm>>
    %dma_start3A_297 = arith.constant 0 : i32
    %dma_start3A_298 = tpu.memref_slice %arg2[%add3A_294, %dma_start3A_297] : memref<8192x512xi32, #tpu.memory_space<hbm>> -> memref<64x512xi32, #tpu.memory_space<hbm>>
    tpu.enqueue_dma source(%dma_start3A_298 : memref<64x512xi32, #tpu.memory_space<hbm>>) target(%arg10 : memref<64x512xi32, #tpu.memory_space<vmem>>) target_semaphore(%arg12 : memref<!tpu.dma_semaphore, #tpu.memory_space<semaphore_mem>>)
    %dma_wait3A_299 = arith.constant 0 : i32
    %dma_wait3A_300 = tpu.memref_slice %arg2[%add3A_294, %dma_wait3A_299] : memref<8192x512xi32, #tpu.memory_space<hbm>> -> memref<64x512xi32, #tpu.memory_space<hbm>>
    %dma_wait3A_301 = arith.constant 0 : i32
    %dma_wait3A_302 = tpu.memref_slice %arg2[%add3A_294, %dma_wait3A_301] : memref<8192x512xi32, #tpu.memory_space<hbm>> -> memref<64x512xi32, #tpu.memory_space<hbm>>
    tpu.wait_dma2 semaphore(%arg12 : memref<!tpu.dma_semaphore, #tpu.memory_space<semaphore_mem>>) src(%dma_wait3A_302 : memref<64x512xi32, #tpu.memory_space<hbm>>) dst(%arg10 : memref<64x512xi32, #tpu.memory_space<vmem>>)
    %dma_start3A_303 = arith.constant 2 : i32
    %dma_start3A_304 = arith.constant 0 : i32
    %dma_start3A_305 = tpu.memref_slice %arg9[%dma_start3A_303, %dma_start3A_304] : memref<4x64xi32, #tpu.memory_space<vmem>> -> memref<1x64xi32, #tpu.memory_space<vmem>>
    %dma_start3A_306 = tpu.memref_squeeze %dma_start3A_305 : memref<1x64xi32, #tpu.memory_space<vmem>> -> memref<64xi32, #tpu.memory_space<vmem>>
    %dma_start3A_307 = arith.constant 0 : i32
    %dma_start3A_308 = arith.constant 0 : i32
    %dma_start3A_309 = tpu.memref_slice %arg5[%dma_start3A_307, %dma_start3A_308] : memref<16384x512xi32, #tpu.memory_space<hbm>> -> memref<16384x512xi32, #tpu.memory_space<hbm>>
    tpu.enqueue_indirect_dma source(%arg10 : memref<64x512xi32, #tpu.memory_space<vmem>>) target(%dma_start3A_309 : memref<16384x512xi32, #tpu.memory_space<hbm>>) offsets(%dma_start3A_306 : memref<64xi32, #tpu.memory_space<vmem>>) semaphore(%arg13 : memref<!tpu.dma_semaphore, #tpu.memory_space<semaphore_mem>>)
    %dma_wait3A_310 = arith.constant 1 : i32
    %dma_wait3A_311 = arith.constant 0 : i32
    %dma_wait3A_312 = tpu.memref_slice %arg9[%dma_wait3A_310, %dma_wait3A_311] : memref<4x64xi32, #tpu.memory_space<vmem>> -> memref<1x64xi32, #tpu.memory_space<vmem>>
    %dma_wait3A_313 = tpu.memref_squeeze %dma_wait3A_312 : memref<1x64xi32, #tpu.memory_space<vmem>> -> memref<64xi32, #tpu.memory_space<vmem>>
    %dma_wait3A_314 = arith.constant 0 : i32
    %dma_wait3A_315 = arith.constant 0 : i32
    %dma_wait3A_316 = tpu.memref_slice %arg5[%dma_wait3A_314, %dma_wait3A_315] : memref<16384x512xi32, #tpu.memory_space<hbm>> -> memref<16384x512xi32, #tpu.memory_space<hbm>>
    tpu.wait_indirect_dma semaphore(%arg13 : memref<!tpu.dma_semaphore, #tpu.memory_space<semaphore_mem>>) src(%arg11 : memref<64x512xi32, #tpu.memory_space<vmem>>) dst(%dma_wait3A_316 : memref<16384x512xi32, #tpu.memory_space<hbm>>)
    %add3A_317 = arith.constant 192 : i32
    %add3A_318 = arith.addi %mul3A_2, %add3A_317 : i32
    %dma_start3A_319 = arith.constant 0 : i32
    %dma_start3A_320 = tpu.memref_slice %arg2[%add3A_318, %dma_start3A_319] : memref<8192x512xi32, #tpu.memory_space<hbm>> -> memref<64x512xi32, #tpu.memory_space<hbm>>
    %dma_start3A_321 = arith.constant 0 : i32
    %dma_start3A_322 = tpu.memref_slice %arg2[%add3A_318, %dma_start3A_321] : memref<8192x512xi32, #tpu.memory_space<hbm>> -> memref<64x512xi32, #tpu.memory_space<hbm>>
    tpu.enqueue_dma source(%dma_start3A_322 : memref<64x512xi32, #tpu.memory_space<hbm>>) target(%arg11 : memref<64x512xi32, #tpu.memory_space<vmem>>) target_semaphore(%arg12 : memref<!tpu.dma_semaphore, #tpu.memory_space<semaphore_mem>>)
    %dma_wait3A_323 = arith.constant 0 : i32
    %dma_wait3A_324 = tpu.memref_slice %arg2[%add3A_318, %dma_wait3A_323] : memref<8192x512xi32, #tpu.memory_space<hbm>> -> memref<64x512xi32, #tpu.memory_space<hbm>>
    %dma_wait3A_325 = arith.constant 0 : i32
    %dma_wait3A_326 = tpu.memref_slice %arg2[%add3A_318, %dma_wait3A_325] : memref<8192x512xi32, #tpu.memory_space<hbm>> -> memref<64x512xi32, #tpu.memory_space<hbm>>
    tpu.wait_dma2 semaphore(%arg12 : memref<!tpu.dma_semaphore, #tpu.memory_space<semaphore_mem>>) src(%dma_wait3A_326 : memref<64x512xi32, #tpu.memory_space<hbm>>) dst(%arg11 : memref<64x512xi32, #tpu.memory_space<vmem>>)
    %dma_start3A_327 = arith.constant 3 : i32
    %dma_start3A_328 = arith.constant 0 : i32
    %dma_start3A_329 = tpu.memref_slice %arg9[%dma_start3A_327, %dma_start3A_328] : memref<4x64xi32, #tpu.memory_space<vmem>> -> memref<1x64xi32, #tpu.memory_space<vmem>>
    %dma_start3A_330 = tpu.memref_squeeze %dma_start3A_329 : memref<1x64xi32, #tpu.memory_space<vmem>> -> memref<64xi32, #tpu.memory_space<vmem>>
    %dma_start3A_331 = arith.constant 0 : i32
    %dma_start3A_332 = arith.constant 0 : i32
    %dma_start3A_333 = tpu.memref_slice %arg5[%dma_start3A_331, %dma_start3A_332] : memref<16384x512xi32, #tpu.memory_space<hbm>> -> memref<16384x512xi32, #tpu.memory_space<hbm>>
    tpu.enqueue_indirect_dma source(%arg11 : memref<64x512xi32, #tpu.memory_space<vmem>>) target(%dma_start3A_333 : memref<16384x512xi32, #tpu.memory_space<hbm>>) offsets(%dma_start3A_330 : memref<64xi32, #tpu.memory_space<vmem>>) semaphore(%arg13 : memref<!tpu.dma_semaphore, #tpu.memory_space<semaphore_mem>>)
    "tpu.region"() ({
      %run_scoped3A_348 = tpu.sem_alloc : memref<!tpu.dma_semaphore, #tpu.memory_space<semaphore_mem>>
      %dma_start3A_349 = arith.constant 0 : i32
      %dma_start3A_350 = arith.constant 0 : i32
      %dma_start3A_351 = tpu.memref_slice %arg6[%add3A, %dma_start3A_349, %dma_start3A_350] : memref<32x4x64xi32, #tpu.memory_space<hbm>> -> memref<1x4x64xi32, #tpu.memory_space<hbm>>
      %dma_start3A_352 = tpu.memref_squeeze %dma_start3A_351 : memref<1x4x64xi32, #tpu.memory_space<hbm>> -> memref<4x64xi32, #tpu.memory_space<hbm>>
      %dma_start3A_353 = arith.constant 0 : i32
      %dma_start3A_354 = arith.constant 0 : i32
      %dma_start3A_355 = tpu.memref_slice %arg6[%add3A, %dma_start3A_353, %dma_start3A_354] : memref<32x4x64xi32, #tpu.memory_space<hbm>> -> memref<1x4x64xi32, #tpu.memory_space<hbm>>
      %dma_start3A_356 = tpu.memref_squeeze %dma_start3A_355 : memref<1x4x64xi32, #tpu.memory_space<hbm>> -> memref<4x64xi32, #tpu.memory_space<hbm>>
      tpu.enqueue_dma source(%arg9 : memref<4x64xi32, #tpu.memory_space<vmem>>) target(%dma_start3A_356 : memref<4x64xi32, #tpu.memory_space<hbm>>) target_semaphore(%run_scoped3A_348 : memref<!tpu.dma_semaphore, #tpu.memory_space<semaphore_mem>>)
      %dma_wait3A_357 = arith.constant 0 : i32
      %dma_wait3A_358 = arith.constant 0 : i32
      %dma_wait3A_359 = tpu.memref_slice %arg6[%add3A, %dma_wait3A_357, %dma_wait3A_358] : memref<32x4x64xi32, #tpu.memory_space<hbm>> -> memref<1x4x64xi32, #tpu.memory_space<hbm>>
      %dma_wait3A_360 = tpu.memref_squeeze %dma_wait3A_359 : memref<1x4x64xi32, #tpu.memory_space<hbm>> -> memref<4x64xi32, #tpu.memory_space<hbm>>
      %dma_wait3A_361 = arith.constant 0 : i32
      %dma_wait3A_362 = arith.constant 0 : i32
      %dma_wait3A_363 = tpu.memref_slice %arg6[%add3A, %dma_wait3A_361, %dma_wait3A_362] : memref<32x4x64xi32, #tpu.memory_space<hbm>> -> memref<1x4x64xi32, #tpu.memory_space<hbm>>
      %dma_wait3A_364 = tpu.memref_squeeze %dma_wait3A_363 : memref<1x4x64xi32, #tpu.memory_space<hbm>> -> memref<4x64xi32, #tpu.memory_space<hbm>>
      tpu.wait_dma2 semaphore(%run_scoped3A_348 : memref<!tpu.dma_semaphore, #tpu.memory_space<semaphore_mem>>) src(%arg9 : memref<4x64xi32, #tpu.memory_space<vmem>>) dst(%dma_wait3A_364 : memref<4x64xi32, #tpu.memory_space<hbm>>)
      tpu.yield
    }) : () -> ()
    %dma_wait3A_334 = arith.constant 2 : i32
    %dma_wait3A_335 = arith.constant 0 : i32
    %dma_wait3A_336 = tpu.memref_slice %arg9[%dma_wait3A_334, %dma_wait3A_335] : memref<4x64xi32, #tpu.memory_space<vmem>> -> memref<1x64xi32, #tpu.memory_space<vmem>>
    %dma_wait3A_337 = tpu.memref_squeeze %dma_wait3A_336 : memref<1x64xi32, #tpu.memory_space<vmem>> -> memref<64xi32, #tpu.memory_space<vmem>>
    %dma_wait3A_338 = arith.constant 0 : i32
    %dma_wait3A_339 = arith.constant 0 : i32
    %dma_wait3A_340 = tpu.memref_slice %arg5[%dma_wait3A_338, %dma_wait3A_339] : memref<16384x512xi32, #tpu.memory_space<hbm>> -> memref<16384x512xi32, #tpu.memory_space<hbm>>
    tpu.wait_indirect_dma semaphore(%arg13 : memref<!tpu.dma_semaphore, #tpu.memory_space<semaphore_mem>>) src(%arg10 : memref<64x512xi32, #tpu.memory_space<vmem>>) dst(%dma_wait3A_340 : memref<16384x512xi32, #tpu.memory_space<hbm>>)
    %dma_wait3A_341 = arith.constant 3 : i32
    %dma_wait3A_342 = arith.constant 0 : i32
    %dma_wait3A_343 = tpu.memref_slice %arg9[%dma_wait3A_341, %dma_wait3A_342] : memref<4x64xi32, #tpu.memory_space<vmem>> -> memref<1x64xi32, #tpu.memory_space<vmem>>
    %dma_wait3A_344 = tpu.memref_squeeze %dma_wait3A_343 : memref<1x64xi32, #tpu.memory_space<vmem>> -> memref<64xi32, #tpu.memory_space<vmem>>
    %dma_wait3A_345 = arith.constant 0 : i32
    %dma_wait3A_346 = arith.constant 0 : i32
    %dma_wait3A_347 = tpu.memref_slice %arg5[%dma_wait3A_345, %dma_wait3A_346] : memref<16384x512xi32, #tpu.memory_space<hbm>> -> memref<16384x512xi32, #tpu.memory_space<hbm>>
    tpu.wait_indirect_dma semaphore(%arg13 : memref<!tpu.dma_semaphore, #tpu.memory_space<semaphore_mem>>) src(%arg11 : memref<64x512xi32, #tpu.memory_space<vmem>>) dst(%dma_wait3A_347 : memref<16384x512xi32, #tpu.memory_space<hbm>>)
    return
  }
}

module attributes {stable_mosaic.version = 14 : i64} {
  func.func @_gate_body(%arg0: i32, %arg1: memref<1024x1024xf32, #tpu.memory_space<vmem>>, %arg2: memref<1024x16xf32, #tpu.memory_space<vmem>>, %arg3: memref<1x16xf32, #tpu.memory_space<vmem>>, %arg4: memref<1x1x1024xi32, #tpu.memory_space<vmem>>, %arg5: memref<1x256xi32, #tpu.memory_space<vmem>>, %arg6: memref<1024x512xi32, #tpu.memory_space<vmem>>, %arg7: memref<1x16xf32, #tpu.memory_space<vmem>>) attributes {dimension_semantics = [#tpu.dimension_semantics<arbitrary>], iteration_bounds = array<i64: 8>, scalar_prefetch = 0 : i64, scratch_operands = 1 : i64, tpu.core_type = #tpu.core_type<tc>, window_params = [{transform_indices = @transform_0, window_bounds = array<i64: 1024, 1024>}, {pipeline_mode = #tpu.pipeline_mode<synchronous>, transform_indices = @transform_1, window_bounds = array<i64: 1024, 16>}, {pipeline_mode = #tpu.pipeline_mode<synchronous>, transform_indices = @transform_2, window_bounds = array<i64: 1, 16>}, {transform_indices = @transform_3, window_bounds = array<i64: 1, 1, 1024>}, {pipeline_mode = #tpu.pipeline_mode<synchronous>, transform_indices = @transform_4, window_bounds = array<i64: 1, 256>}, {transform_indices = @transform_5, window_bounds = array<i64: 1024, 512>}]} {
    %eq3A = arith.constant 0 : i32
    %eq3A_0 = arith.cmpi eq, %arg0, %eq3A : i32
    %convert_element_type3A = arith.extui %eq3A_0 : i1 to i32
    %cond3A = arith.constant 0 : i32
    %cond3A_1 = arith.cmpi ne, %convert_element_type3A, %cond3A : i32
    scf.if %cond3A_1 {
      %broadcast_in_dim3A_71 = arith.constant 0.000000e+00 : f32
      %broadcast_in_dim3A_72 = vector.broadcast %broadcast_in_dim3A_71 : f32 to vector<1x16xf32>
      %swap3A_73 = arith.constant 0 : index
      %swap3A_74 = arith.constant 0 : index
      %swap3A_75 = vector.load %arg7[%swap3A_73, %swap3A_74] : memref<1x16xf32, #tpu.memory_space<vmem>>, vector<1x16xf32>
      tpu.vector_store %arg7[%swap3A_73, %swap3A_74], %broadcast_in_dim3A_72 {strides = array<i32>} : memref<1x16xf32, #tpu.memory_space<vmem>>, vector<1x16xf32>,
    } else {
    }
    %get3A = arith.constant 0 : index
    %get3A_2 = arith.constant 0 : index
    %get3A_3 = vector.load %arg1[%get3A, %get3A_2] : memref<1024x1024xf32, #tpu.memory_space<vmem>>, vector<1024x1024xf32>
    %convert_element_type3A_4 = arith.truncf %get3A_3 : vector<1024x1024xf32> to vector<1024x1024xbf16>
    %slice3A = vector.extract_strided_slice %convert_element_type3A_4 {offsets = [0, 0], sizes = [1024, 512], strides = [1, 1]} : vector<1024x1024xbf16> to vector<1024x512xbf16>
    %bitcast_convert_type3A = tpu.bitcast %slice3A : vector<1024x512xbf16> -> vector<1024x512xi16>
    %slice3A_5 = vector.extract_strided_slice %convert_element_type3A_4 {offsets = [0, 512], sizes = [1024, 512], strides = [1, 1]} : vector<1024x1024xbf16> to vector<1024x512xbf16>
    %bitcast_convert_type3A_6 = tpu.bitcast %slice3A_5 : vector<1024x512xbf16> -> vector<1024x512xi16>
    %convert_element_type3A_7 = arith.extui %bitcast_convert_type3A : vector<1024x512xi16> to vector<1024x512xi32>
    %convert_element_type3A_8 = arith.extui %bitcast_convert_type3A_6 : vector<1024x512xi16> to vector<1024x512xi32>
    %shift_left3A = arith.constant 16 : i32
    %shift_left3A_9 = vector.broadcast %shift_left3A : i32 to vector<1024x512xi32>
    %shift_left3A_10 = arith.shli %convert_element_type3A_8, %shift_left3A_9 : vector<1024x512xi32>
    %or3A = arith.ori %convert_element_type3A_7, %shift_left3A_10 : vector<1024x512xi32>
    %bitcast_convert_type3A_11 = tpu.bitcast %or3A : vector<1024x512xi32> -> vector<1024x512xi32>
    %swap3A = arith.constant 0 : index
    %swap3A_12 = arith.constant 0 : index
    %swap3A_13 = vector.load %arg6[%swap3A, %swap3A_12] : memref<1024x512xi32, #tpu.memory_space<vmem>>, vector<1024x512xi32>
    tpu.vector_store %arg6[%swap3A, %swap3A_12], %bitcast_convert_type3A_11 {strides = array<i32>} : memref<1024x512xi32, #tpu.memory_space<vmem>>, vector<1024x512xi32>,
    %get3A_14 = arith.constant 0 : index
    %get3A_15 = arith.constant 0 : index
    %get3A_16 = vector.load %arg1[%get3A_14, %get3A_15] : memref<1024x1024xf32, #tpu.memory_space<vmem>>, vector<1024x1024xf32>
    %get3A_17 = arith.constant 0 : index
    %get3A_18 = arith.constant 0 : index
    %get3A_19 = vector.load %arg2[%get3A_17, %get3A_18] : memref<1024x16xf32, #tpu.memory_space<vmem>>, vector<1024x16xf32>
    %dot_general3A = arith.constant dense<0.000000e+00> : vector<1024x16xf32>
    %dot_general3A_20 = tpu.matmul %get3A_16, %get3A_19, %dot_general3A {dimension_numbers = #tpu.dot_dimension_numbers<[1], [0], [0], [1], [0, 0, 1, 1], [], []>, transpose_lhs_hint = false} : vector<1024x1024xf32>, vector<1024x16xf32>, vector<1024x16xf32> -> vector<1024x16xf32>
    %get3A_21 = arith.constant 0 : index
    %get3A_22 = arith.constant 0 : index
    %get3A_23 = vector.load %arg3[%get3A_21, %get3A_22] : memref<1x16xf32, #tpu.memory_space<vmem>>, vector<1x16xf32>
    %add3A = vector.broadcast %get3A_23 : vector<1x16xf32> to vector<1024x16xf32>
    %add3A_24 = arith.addf %dot_general3A_20, %add3A : vector<1024x16xf32>
    %reduce_max3A = arith.constant dense<0xFF800000> : vector<1024xf32>
    %reduce_max3A_25 = vector.multi_reduction <maximumf>, %add3A_24, %reduce_max3A [1] : vector<1024x16xf32> to vector<1024xf32>
    %broadcast_in_dim3A = vector.shape_cast %reduce_max3A_25 : vector<1024xf32> to vector<1024x1xf32>
    %iota3A = tpu.iota {dimensions = array<i32: 1>} : vector<1024x16xi32>
    %eq3A_26 = vector.broadcast %broadcast_in_dim3A : vector<1024x1xf32> to vector<1024x16xf32>
    %eq3A_27 = arith.cmpf oeq, %add3A_24, %eq3A_26 : vector<1024x16xf32>
    %jit3A = arith.constant 16 : i32
    %broadcast_in_dim3A_28 = vector.broadcast %jit3A : i32 to vector<1024x16xi32>
    %select_n3A = arith.select %eq3A_27, %iota3A, %broadcast_in_dim3A_28 : vector<1024x16xi1>, vector<1024x16xi32>
    %reduce_min3A = arith.constant dense<2147483647> : vector<1024xi32>
    %reduce_min3A_29 = vector.multi_reduction <minsi>, %select_n3A, %reduce_min3A [1] : vector<1024x16xi32> to vector<1024xi32>
    %broadcast_in_dim3A_30 = vector.shape_cast %reduce_min3A_29 : vector<1024xi32> to vector<1024x1xi32>
    %eq3A_31 = vector.broadcast %broadcast_in_dim3A_30 : vector<1024x1xi32> to vector<1024x16xi32>
    %eq3A_32 = arith.cmpi eq, %iota3A, %eq3A_31 : vector<1024x16xi32>
    %convert_element_type3A_33 = arith.extui %eq3A_32 : vector<1024x16xi1> to vector<1024x16xi32>
    %convert_element_type3A_34 = arith.sitofp %convert_element_type3A_33 : vector<1024x16xi32> to vector<1024x16xf32>
    %iota3A_35 = tpu.iota {dimensions = array<i32: 0>} : vector<1024x1024xi32>
    %iota3A_36 = tpu.iota {dimensions = array<i32: 1>} : vector<1024x1024xi32>
    %lt3A = arith.cmpi slt, %iota3A_36, %iota3A_35 : vector<1024x1024xi32>
    %convert_element_type3A_37 = arith.extui %lt3A : vector<1024x1024xi1> to vector<1024x1024xi32>
    %convert_element_type3A_38 = arith.sitofp %convert_element_type3A_37 : vector<1024x1024xi32> to vector<1024x1024xf32>
    %convert_element_type3A_39 = arith.truncf %convert_element_type3A_38 : vector<1024x1024xf32> to vector<1024x1024xbf16>
    %convert_element_type3A_40 = arith.truncf %convert_element_type3A_34 : vector<1024x16xf32> to vector<1024x16xbf16>
    %dot_general3A_41 = arith.constant dense<0.000000e+00> : vector<1024x16xf32>
    %dot_general3A_42 = tpu.matmul %convert_element_type3A_39, %convert_element_type3A_40, %dot_general3A_41 {dimension_numbers = #tpu.dot_dimension_numbers<[1], [0], [0], [1], [0, 0, 1, 1], [], []>, transpose_lhs_hint = false} : vector<1024x1024xbf16>, vector<1024x16xbf16>, vector<1024x16xf32> -> vector<1024x16xf32>
    %get3A_43 = arith.constant 0 : index
    %get3A_44 = arith.constant 0 : index
    %get3A_45 = vector.load %arg7[%get3A_43, %get3A_44] : memref<1x16xf32, #tpu.memory_space<vmem>>, vector<1x16xf32>
    %add3A_46 = vector.broadcast %get3A_45 : vector<1x16xf32> to vector<1024x16xf32>
    %add3A_47 = arith.addf %dot_general3A_42, %add3A_46 : vector<1024x16xf32>
    %mul3A = arith.mulf %convert_element_type3A_34, %add3A_47 : vector<1024x16xf32>
    %reduce_sum3A = arith.constant dense<0.000000e+00> : vector<1024xf32>
    %reduce_sum3A_48 = vector.multi_reduction <add>, %mul3A, %reduce_sum3A [1] : vector<1024x16xf32> to vector<1024xf32>
    %shift_left3A_49 = arith.constant 16 : i32
    %shift_left3A_50 = vector.broadcast %shift_left3A_49 : i32 to vector<1024xi32>
    %shift_left3A_51 = arith.shli %reduce_min3A_29, %shift_left3A_50 : vector<1024xi32>
    %convert_element_type3A_52 = arith.fptosi %reduce_sum3A_48 : vector<1024xf32> to vector<1024xi32>
    %or3A_53 = arith.ori %shift_left3A_51, %convert_element_type3A_52 : vector<1024xi32>
    %broadcast_in_dim3A_54 = vector.shape_cast %or3A_53 : vector<1024xi32> to vector<1x1x1024xi32>
    %swap3A_55 = arith.constant 0 : index
    %swap3A_56 = arith.constant 0 : index
    %swap3A_57 = arith.constant 0 : index
    %swap3A_58 = vector.load %arg4[%swap3A_55, %swap3A_56, %swap3A_57] : memref<1x1x1024xi32, #tpu.memory_space<vmem>>, vector<1x1x1024xi32>
    tpu.vector_store %arg4[%swap3A_55, %swap3A_56, %swap3A_57], %broadcast_in_dim3A_54 {strides = array<i32>} : memref<1x1x1024xi32, #tpu.memory_space<vmem>>, vector<1x1x1024xi32>,
    %reduce_sum3A_59 = arith.constant dense<0.000000e+00> : vector<16xf32>
    %reduce_sum3A_60 = vector.multi_reduction <add>, %convert_element_type3A_34, %reduce_sum3A_59 [0] : vector<1024x16xf32> to vector<16xf32>
    %broadcast_in_dim3A_61 = vector.shape_cast %reduce_sum3A_60 : vector<16xf32> to vector<1x16xf32>
    %add3A_62 = arith.addf %get3A_45, %broadcast_in_dim3A_61 : vector<1x16xf32>
    %swap3A_63 = arith.constant 0 : index
    %swap3A_64 = arith.constant 0 : index
    %swap3A_65 = vector.load %arg7[%swap3A_63, %swap3A_64] : memref<1x16xf32, #tpu.memory_space<vmem>>, vector<1x16xf32>
    tpu.vector_store %arg7[%swap3A_63, %swap3A_64], %add3A_62 {strides = array<i32>} : memref<1x16xf32, #tpu.memory_space<vmem>>, vector<1x16xf32>,
    %eq3A_66 = arith.constant 7 : i32
    %eq3A_67 = arith.cmpi eq, %arg0, %eq3A_66 : i32
    %convert_element_type3A_68 = arith.extui %eq3A_67 : i1 to i32
    %cond3A_69 = arith.constant 0 : i32
    %cond3A_70 = arith.cmpi ne, %convert_element_type3A_68, %cond3A_69 : i32
    scf.if %cond3A_70 {
      %mul3A_71 = arith.constant 0.001953125 : f32
      %mul3A_72 = vector.broadcast %mul3A_71 : f32 to vector<1x16xf32>
      %mul3A_73 = arith.mulf %add3A_62, %mul3A_72 : vector<1x16xf32>
      %ceil3A = math.ceil %mul3A_73 : vector<1x16xf32>
      %iota3A_74 = tpu.iota {dimensions = array<i32: 0>} : vector<16x16xi32>
      %iota3A_75 = tpu.iota {dimensions = array<i32: 1>} : vector<16x16xi32>
      %le3A = arith.cmpi sle, %iota3A_74, %iota3A_75 : vector<16x16xi32>
      %convert_element_type3A_76 = arith.extui %le3A : vector<16x16xi1> to vector<16x16xi32>
      %convert_element_type3A_77 = arith.sitofp %convert_element_type3A_76 : vector<16x16xi32> to vector<16x16xf32>
      %convert_element_type3A_78 = arith.truncf %convert_element_type3A_77 : vector<16x16xf32> to vector<16x16xbf16>
      %convert_element_type3A_79 = arith.truncf %ceil3A : vector<1x16xf32> to vector<1x16xbf16>
      %dot_general3A_80 = arith.constant dense<0.000000e+00> : vector<1x16xf32>
      %dot_general3A_81 = tpu.matmul %convert_element_type3A_79, %convert_element_type3A_78, %dot_general3A_80 {dimension_numbers = #tpu.dot_dimension_numbers<[1], [0], [0], [1], [0, 0, 1, 1], [], []>, transpose_lhs_hint = false} : vector<1x16xbf16>, vector<16x16xbf16>, vector<1x16xf32> -> vector<1x16xf32>
      %sub3A = arith.subf %dot_general3A_81, %ceil3A : vector<1x16xf32>
      %mul3A_82 = arith.constant 5.120000e+02 : f32
      %mul3A_83 = vector.broadcast %mul3A_82 : f32 to vector<1x16xf32>
      %mul3A_84 = arith.mulf %sub3A, %mul3A_83 : vector<1x16xf32>
      %convert_element_type3A_85 = arith.fptosi %mul3A_84 : vector<1x16xf32> to vector<1x16xi32>
      %reduce_max3A_86 = arith.constant dense<0xFF800000> : vector<1xf32>
      %reduce_max3A_87 = vector.multi_reduction <maximumf>, %dot_general3A_81, %reduce_max3A_86 [1] : vector<1x16xf32> to vector<1xf32>
      %broadcast_in_dim3A_88 = vector.shape_cast %reduce_max3A_87 : vector<1xf32> to vector<1x1xf32>
      %convert_element_type3A_89 = arith.fptosi %broadcast_in_dim3A_88 : vector<1x1xf32> to vector<1x1xi32>
      %iota3A_90 = tpu.iota {dimensions = array<i32: 0>} : vector<128x16xi32>
      %convert_element_type3A_91 = arith.fptosi %dot_general3A_81 : vector<1x16xf32> to vector<1x16xi32>
      %ge3A = vector.broadcast %convert_element_type3A_91 : vector<1x16xi32> to vector<128x16xi32>
      %ge3A_92 = arith.cmpi sge, %iota3A_90, %ge3A : vector<128x16xi32>
      %convert_element_type3A_93 = arith.extui %ge3A_92 : vector<128x16xi1> to vector<128x16xi32>
      %reduce_sum3A_94 = arith.constant dense<0> : vector<128xi32>
      %reduce_sum3A_95 = vector.multi_reduction <add>, %convert_element_type3A_93, %reduce_sum3A_94 [1] : vector<128x16xi32> to vector<128xi32>
      %min3A = arith.constant 15 : i32
      %min3A_96 = vector.broadcast %min3A : i32 to vector<128xi32>
      %min3A_97 = arith.minsi %reduce_sum3A_95, %min3A_96 : vector<128xi32>
      %broadcast_in_dim3A_98 = vector.shape_cast %min3A_97 : vector<128xi32> to vector<1x128xi32>
      %broadcast_in_dim3A_99 = vector.shape_cast %convert_element_type3A_89 : vector<1x1xi32> to vector<1x1xi32>
      %broadcast_in_dim3A_100 = vector.broadcast %broadcast_in_dim3A_99 : vector<1x1xi32> to vector<1x112xi32>
      %concatenate3A = tpu.concatenate %broadcast_in_dim3A_98, %convert_element_type3A_85, %broadcast_in_dim3A_100 in 1 : vector<1x128xi32>, vector<1x16xi32>, vector<1x112xi32> -> vector<1x256xi32>
      %swap3A_101 = arith.constant 0 : index
      %swap3A_102 = arith.constant 0 : index
      %swap3A_103 = vector.load %arg5[%swap3A_101, %swap3A_102] : memref<1x256xi32, #tpu.memory_space<vmem>>, vector<1x256xi32>
      tpu.vector_store %arg5[%swap3A_101, %swap3A_102], %concatenate3A {strides = array<i32>} : memref<1x256xi32, #tpu.memory_space<vmem>>, vector<1x256xi32>,
    } else {
    }
    return
  }
  func.func @transform_0(%arg0: i32) -> (i32, i32) {
    %c0_i32 = arith.constant 0 : i32
    %c0_i32_0 = arith.constant 0 : i32
    return %arg0, %c0_i32 : i32, i32
  }
  func.func @transform_1(%arg0: i32) -> (i32, i32) {
    %c0_i32 = arith.constant 0 : i32
    %c0_i32_0 = arith.constant 0 : i32
    %c0_i32_1 = arith.constant 0 : i32
    return %c0_i32, %c0_i32_0 : i32, i32
  }
  func.func @transform_2(%arg0: i32) -> (i32, i32) {
    %c0_i32 = arith.constant 0 : i32
    %c0_i32_0 = arith.constant 0 : i32
    %c0_i32_1 = arith.constant 0 : i32
    return %c0_i32, %c0_i32_0 : i32, i32
  }
  func.func @transform_3(%arg0: i32) -> (i32, i32, i32) {
    %c0_i32 = arith.constant 0 : i32
    %c0_i32_0 = arith.constant 0 : i32
    %c0_i32_1 = arith.constant 0 : i32
    return %arg0, %c0_i32, %c0_i32_0 : i32, i32, i32
  }
  func.func @transform_4(%arg0: i32) -> (i32, i32) {
    %c0_i32 = arith.constant 0 : i32
    %c0_i32_0 = arith.constant 0 : i32
    %c0_i32_1 = arith.constant 0 : i32
    return %c0_i32, %c0_i32_0 : i32, i32
  }
  func.func @transform_5(%arg0: i32) -> (i32, i32) {
    %c0_i32 = arith.constant 0 : i32
    %c0_i32_0 = arith.constant 0 : i32
    return %arg0, %c0_i32 : i32, i32
  }
}

module attributes {stable_mosaic.version = 14 : i64} {
  func.func @_ffn_body(%arg0: i32, %arg1: memref<1x256xi32, #tpu.memory_space<smem>>, %arg2: memref<512x512xi32, #tpu.memory_space<vmem>>, %arg3: memref<1x1024x1024xf32, #tpu.memory_space<vmem>>, %arg4: memref<1x1x1024xf32, #tpu.memory_space<vmem>>, %arg5: memref<1x1024x1024xf32, #tpu.memory_space<vmem>>, %arg6: memref<1x1x1024xf32, #tpu.memory_space<vmem>>, %arg7: memref<512x1024xf32, #tpu.memory_space<vmem>>, %arg8: memref<1024x1024xbf16, #tpu.memory_space<vmem>>, %arg9: memref<1024x1024xbf16, #tpu.memory_space<vmem>>, %arg10: memref<1xi32, #tpu.memory_space<smem>>) attributes {dimension_semantics = [#tpu.dimension_semantics<arbitrary>], iteration_bounds = array<i64: 32>, scalar_prefetch = 1 : i64, scratch_operands = 3 : i64, tpu.core_type = #tpu.core_type<tc>, window_params = [{transform_indices = @transform_0, window_bounds = array<i64: 512, 512>}, {transform_indices = @transform_1, window_bounds = array<i64: 1, 1024, 1024>}, {transform_indices = @transform_2, window_bounds = array<i64: 1, 1, 1024>}, {transform_indices = @transform_3, window_bounds = array<i64: 1, 1024, 1024>}, {transform_indices = @transform_4, window_bounds = array<i64: 1, 1, 1024>}, {transform_indices = @transform_5, window_bounds = array<i64: 512, 1024>}]} {
    %get3A = arith.constant 0 : index
    %get3A_0 = arith.constant 160 : index
    %get3A_1 = memref.load %arg1[%get3A, %get3A_0] : memref<1x256xi32, #tpu.memory_space<smem>>
    %lt3A = arith.cmpi slt, %arg0, %get3A_1 : i32
    %convert_element_type3A = arith.extui %lt3A : i1 to i32
    %cond3A = arith.constant 0 : i32
    %cond3A_2 = arith.cmpi ne, %convert_element_type3A, %cond3A : i32
    scf.if %cond3A_2 {
      %get3A_3 = arith.constant 0 : index
      %get3A_4 = arith.index_cast %arg0 : i32 to index
      %get3A_5 = memref.load %arg1[%get3A_3, %get3A_4] : memref<1x256xi32, #tpu.memory_space<smem>>
      %eq3A = arith.constant 0 : i32
      %eq3A_6 = arith.cmpi eq, %arg0, %eq3A : i32
      %get3A_7 = arith.constant 0 : index
      %get3A_8 = memref.load %arg10[%get3A_7] : memref<1xi32, #tpu.memory_space<smem>>
      %ne3A = arith.cmpi ne, %get3A_5, %get3A_8 : i32
      %or3A = arith.ori %eq3A_6, %ne3A : i1
      %convert_element_type3A_9 = arith.extui %or3A : i1 to i32
      %cond3A_10 = arith.constant 0 : i32
      %cond3A_11 = arith.cmpi ne, %convert_element_type3A_9, %cond3A_10 : i32
      scf.if %cond3A_11 {
        %get3A_58 = arith.constant 0 : index
        %get3A_59 = arith.constant 0 : index
        %get3A_60 = arith.constant 0 : index
        %get3A_61 = vector.load %arg3[%get3A_58, %get3A_59, %get3A_60] : memref<1x1024x1024xf32, #tpu.memory_space<vmem>>, vector<1x1024x1024xf32>
        %get3A_62 = vector.shape_cast %get3A_61 : vector<1x1024x1024xf32> to vector<1024x1024xf32>
        %convert_element_type3A_63 = arith.truncf %get3A_62 : vector<1024x1024xf32> to vector<1024x1024xbf16>
        %swap3A_64 = arith.constant 0 : index
        %swap3A_65 = arith.constant 0 : index
        %swap3A_66 = vector.load %arg8[%swap3A_64, %swap3A_65] : memref<1024x1024xbf16, #tpu.memory_space<vmem>>, vector<1024x1024xbf16>
        tpu.vector_store %arg8[%swap3A_64, %swap3A_65], %convert_element_type3A_63 {strides = array<i32>} : memref<1024x1024xbf16, #tpu.memory_space<vmem>>, vector<1024x1024xbf16>,
        %get3A_67 = arith.constant 0 : index
        %get3A_68 = arith.constant 0 : index
        %get3A_69 = arith.constant 0 : index
        %get3A_70 = vector.load %arg5[%get3A_67, %get3A_68, %get3A_69] : memref<1x1024x1024xf32, #tpu.memory_space<vmem>>, vector<1x1024x1024xf32>
        %get3A_71 = vector.shape_cast %get3A_70 : vector<1x1024x1024xf32> to vector<1024x1024xf32>
        %convert_element_type3A_72 = arith.truncf %get3A_71 : vector<1024x1024xf32> to vector<1024x1024xbf16>
        %swap3A_73 = arith.constant 0 : index
        %swap3A_74 = arith.constant 0 : index
        %swap3A_75 = vector.load %arg9[%swap3A_73, %swap3A_74] : memref<1024x1024xbf16, #tpu.memory_space<vmem>>, vector<1024x1024xbf16>
        tpu.vector_store %arg9[%swap3A_73, %swap3A_74], %convert_element_type3A_72 {strides = array<i32>} : memref<1024x1024xbf16, #tpu.memory_space<vmem>>, vector<1024x1024xbf16>,
      } else {
      }
      %swap3A = arith.constant 0 : index
      %swap3A_12 = memref.load %arg10[%swap3A] : memref<1xi32, #tpu.memory_space<smem>>
      memref.store %get3A_5, %arg10[%swap3A] : memref<1xi32, #tpu.memory_space<smem>>
      %get3A_13 = arith.constant 0 : index
      %get3A_14 = arith.constant 0 : index
      %get3A_15 = vector.load %arg2[%get3A_13, %get3A_14] : memref<512x512xi32, #tpu.memory_space<vmem>>, vector<512x512xi32>
      %bitcast_convert_type3A = tpu.bitcast %get3A_15 : vector<512x512xi32> -> vector<512x512xi32>
      %and3A = arith.constant 65535 : i32
      %and3A_16 = vector.broadcast %and3A : i32 to vector<512x512xi32>
      %and3A_17 = arith.andi %bitcast_convert_type3A, %and3A_16 : vector<512x512xi32>
      %convert_element_type3A_18 = arith.trunci %and3A_17 : vector<512x512xi32> to vector<512x512xi16>
      %bitcast_convert_type3A_19 = tpu.bitcast %convert_element_type3A_18 : vector<512x512xi16> -> vector<512x512xbf16>
      %shift_right_logical3A = arith.constant 16 : i32
      %shift_right_logical3A_20 = vector.broadcast %shift_right_logical3A : i32 to vector<512x512xi32>
      %shift_right_logical3A_21 = arith.shrui %bitcast_convert_type3A, %shift_right_logical3A_20 : vector<512x512xi32>
      %convert_element_type3A_22 = arith.trunci %shift_right_logical3A_21 : vector<512x512xi32> to vector<512x512xi16>
      %bitcast_convert_type3A_23 = tpu.bitcast %convert_element_type3A_22 : vector<512x512xi16> -> vector<512x512xbf16>
      %get3A_24 = arith.constant 0 : index
      %get3A_25 = arith.constant 0 : index
      %get3A_26 = vector.load %arg8[%get3A_24, %get3A_25] : memref<1024x1024xbf16, #tpu.memory_space<vmem>>, vector<512x1024xbf16>
      %dot_general3A = arith.constant dense<0.000000e+00> : vector<512x1024xf32>
      %dot_general3A_27 = tpu.matmul %bitcast_convert_type3A_19, %get3A_26, %dot_general3A {dimension_numbers = #tpu.dot_dimension_numbers<[1], [0], [0], [1], [0, 0, 1, 1], [], []>, transpose_lhs_hint = false} : vector<512x512xbf16>, vector<512x1024xbf16>, vector<512x1024xf32> -> vector<512x1024xf32>
      %get3A_28 = arith.constant 512 : index
      %get3A_29 = arith.constant 0 : index
      %get3A_30 = vector.load %arg8[%get3A_28, %get3A_29] : memref<1024x1024xbf16, #tpu.memory_space<vmem>>, vector<512x1024xbf16>
      %dot_general3A_31 = arith.constant dense<0.000000e+00> : vector<512x1024xf32>
      %dot_general3A_32 = tpu.matmul %bitcast_convert_type3A_23, %get3A_30, %dot_general3A_31 {dimension_numbers = #tpu.dot_dimension_numbers<[1], [0], [0], [1], [0, 0, 1, 1], [], []>, transpose_lhs_hint = false} : vector<512x512xbf16>, vector<512x1024xbf16>, vector<512x1024xf32> -> vector<512x1024xf32>
      %add3A = arith.addf %dot_general3A_27, %dot_general3A_32 : vector<512x1024xf32>
      %get3A_33 = arith.constant 0 : index
      %get3A_34 = arith.constant 0 : index
      %get3A_35 = arith.constant 0 : index
      %get3A_36 = vector.load %arg4[%get3A_33, %get3A_34, %get3A_35] : memref<1x1x1024xf32, #tpu.memory_space<vmem>>, vector<1x1x1024xf32>
      %get3A_37 = vector.shape_cast %get3A_36 : vector<1x1x1024xf32> to vector<1x1024xf32>
      %add3A_38 = vector.broadcast %get3A_37 : vector<1x1024xf32> to vector<512x1024xf32>
      %add3A_39 = arith.addf %add3A, %add3A_38 : vector<512x1024xf32>
      %max3A = arith.constant 0.000000e+00 : f32
      %max3A_40 = vector.broadcast %max3A : f32 to vector<512x1024xf32>
      %max3A_41 = arith.maximumf %add3A_39, %max3A_40 : vector<512x1024xf32>
      %convert_element_type3A_42 = arith.truncf %max3A_41 : vector<512x1024xf32> to vector<512x1024xbf16>
      %get3A_43 = arith.constant 0 : index
      %get3A_44 = arith.constant 0 : index
      %get3A_45 = vector.load %arg9[%get3A_43, %get3A_44] : memref<1024x1024xbf16, #tpu.memory_space<vmem>>, vector<1024x1024xbf16>
      %dot_general3A_46 = arith.constant dense<0.000000e+00> : vector<512x1024xf32>
      %dot_general3A_47 = tpu.matmul %convert_element_type3A_42, %get3A_45, %dot_general3A_46 {dimension_numbers = #tpu.dot_dimension_numbers<[1], [0], [0], [1], [0, 0, 1, 1], [], []>, transpose_lhs_hint = false} : vector<512x1024xbf16>, vector<1024x1024xbf16>, vector<512x1024xf32> -> vector<512x1024xf32>
      %get3A_48 = arith.constant 0 : index
      %get3A_49 = arith.constant 0 : index
      %get3A_50 = arith.constant 0 : index
      %get3A_51 = vector.load %arg6[%get3A_48, %get3A_49, %get3A_50] : memref<1x1x1024xf32, #tpu.memory_space<vmem>>, vector<1x1x1024xf32>
      %get3A_52 = vector.shape_cast %get3A_51 : vector<1x1x1024xf32> to vector<1x1024xf32>
      %add3A_53 = vector.broadcast %get3A_52 : vector<1x1024xf32> to vector<512x1024xf32>
      %add3A_54 = arith.addf %dot_general3A_47, %add3A_53 : vector<512x1024xf32>
      %swap3A_55 = arith.constant 0 : index
      %swap3A_56 = arith.constant 0 : index
      %swap3A_57 = vector.load %arg7[%swap3A_55, %swap3A_56] : memref<512x1024xf32, #tpu.memory_space<vmem>>, vector<512x1024xf32>
      tpu.vector_store %arg7[%swap3A_55, %swap3A_56], %add3A_54 {strides = array<i32>} : memref<512x1024xf32, #tpu.memory_space<vmem>>, vector<512x1024xf32>,
    } else {
    }
    return
  }
  func.func @transform_0(%arg0: i32, %arg1: memref<1x256xi32, #tpu.memory_space<smem>>) -> (i32, i32) {
    %get3A = arith.constant 0 : index
    %get3A_0 = arith.constant 160 : index
    %get3A_1 = memref.load %arg1[%get3A, %get3A_0] : memref<1x256xi32, #tpu.memory_space<smem>>
    %sub3A = arith.constant 1 : i32
    %sub3A_2 = arith.subi %get3A_1, %sub3A : i32
    %min3A = arith.minsi %arg0, %sub3A_2 : i32
    %c0_i32 = arith.constant 0 : i32
    %c0_i32_3 = arith.constant 0 : i32
    return %min3A, %c0_i32 : i32, i32
  }
  func.func @transform_1(%arg0: i32, %arg1: memref<1x256xi32, #tpu.memory_space<smem>>) -> (i32, i32, i32) {
    %get3A = arith.constant 0 : index
    %get3A_0 = arith.constant 160 : index
    %get3A_1 = memref.load %arg1[%get3A, %get3A_0] : memref<1x256xi32, #tpu.memory_space<smem>>
    %sub3A = arith.constant 1 : i32
    %sub3A_2 = arith.subi %get3A_1, %sub3A : i32
    %min3A = arith.minsi %arg0, %sub3A_2 : i32
    %get3A_3 = arith.constant 0 : index
    %get3A_4 = arith.index_cast %min3A : i32 to index
    %get3A_5 = memref.load %arg1[%get3A_3, %get3A_4] : memref<1x256xi32, #tpu.memory_space<smem>>
    %c0_i32 = arith.constant 0 : i32
    %c0_i32_6 = arith.constant 0 : i32
    %c0_i32_7 = arith.constant 0 : i32
    return %get3A_5, %c0_i32, %c0_i32_6 : i32, i32, i32
  }
  func.func @transform_2(%arg0: i32, %arg1: memref<1x256xi32, #tpu.memory_space<smem>>) -> (i32, i32, i32) {
    %get3A = arith.constant 0 : index
    %get3A_0 = arith.constant 160 : index
    %get3A_1 = memref.load %arg1[%get3A, %get3A_0] : memref<1x256xi32, #tpu.memory_space<smem>>
    %sub3A = arith.constant 1 : i32
    %sub3A_2 = arith.subi %get3A_1, %sub3A : i32
    %min3A = arith.minsi %arg0, %sub3A_2 : i32
    %get3A_3 = arith.constant 0 : index
    %get3A_4 = arith.index_cast %min3A : i32 to index
    %get3A_5 = memref.load %arg1[%get3A_3, %get3A_4] : memref<1x256xi32, #tpu.memory_space<smem>>
    %c0_i32 = arith.constant 0 : i32
    %c0_i32_6 = arith.constant 0 : i32
    %c0_i32_7 = arith.constant 0 : i32
    return %get3A_5, %c0_i32, %c0_i32_6 : i32, i32, i32
  }
  func.func @transform_3(%arg0: i32, %arg1: memref<1x256xi32, #tpu.memory_space<smem>>) -> (i32, i32, i32) {
    %get3A = arith.constant 0 : index
    %get3A_0 = arith.constant 160 : index
    %get3A_1 = memref.load %arg1[%get3A, %get3A_0] : memref<1x256xi32, #tpu.memory_space<smem>>
    %sub3A = arith.constant 1 : i32
    %sub3A_2 = arith.subi %get3A_1, %sub3A : i32
    %min3A = arith.minsi %arg0, %sub3A_2 : i32
    %get3A_3 = arith.constant 0 : index
    %get3A_4 = arith.index_cast %min3A : i32 to index
    %get3A_5 = memref.load %arg1[%get3A_3, %get3A_4] : memref<1x256xi32, #tpu.memory_space<smem>>
    %c0_i32 = arith.constant 0 : i32
    %c0_i32_6 = arith.constant 0 : i32
    %c0_i32_7 = arith.constant 0 : i32
    return %get3A_5, %c0_i32, %c0_i32_6 : i32, i32, i32
  }
  func.func @transform_4(%arg0: i32, %arg1: memref<1x256xi32, #tpu.memory_space<smem>>) -> (i32, i32, i32) {
    %get3A = arith.constant 0 : index
    %get3A_0 = arith.constant 160 : index
    %get3A_1 = memref.load %arg1[%get3A, %get3A_0] : memref<1x256xi32, #tpu.memory_space<smem>>
    %sub3A = arith.constant 1 : i32
    %sub3A_2 = arith.subi %get3A_1, %sub3A : i32
    %min3A = arith.minsi %arg0, %sub3A_2 : i32
    %get3A_3 = arith.constant 0 : index
    %get3A_4 = arith.index_cast %min3A : i32 to index
    %get3A_5 = memref.load %arg1[%get3A_3, %get3A_4] : memref<1x256xi32, #tpu.memory_space<smem>>
    %c0_i32 = arith.constant 0 : i32
    %c0_i32_6 = arith.constant 0 : i32
    %c0_i32_7 = arith.constant 0 : i32
    return %get3A_5, %c0_i32, %c0_i32_6 : i32, i32, i32
  }
  func.func @transform_5(%arg0: i32, %arg1: memref<1x256xi32, #tpu.memory_space<smem>>) -> (i32, i32) {
    %get3A = arith.constant 0 : index
    %get3A_0 = arith.constant 160 : index
    %get3A_1 = memref.load %arg1[%get3A, %get3A_0] : memref<1x256xi32, #tpu.memory_space<smem>>
    %sub3A = arith.constant 1 : i32
    %sub3A_2 = arith.subi %get3A_1, %sub3A : i32
    %min3A = arith.minsi %arg0, %sub3A_2 : i32
    %c0_i32 = arith.constant 0 : i32
    %c0_i32_3 = arith.constant 0 : i32
    return %min3A, %c0_i32 : i32, i32
  }
}

</mosaic_0001>

<sc_bundles>
// kernel: kernel.6.cloned.1.call-start
scs
__scs_entry_jumppad:
0x0: {  	(pc) =	sbr.rel $0x88, $3  }
0x1: {  	(tag) =	ssettag $0x0;
	lr =	simm.s32 $0x1  }
0x2: {  	[smem:$0x3F9A] =	sst lr;
	_ =	strace $0xD0000000  }
0x3: {  	_ = 	snop  }
0x4: {  	_ = 	snop  }
0x5: {  	_ = 	snop  }
0x6: {  	_ = 	snop  }
0x7: {  	_ = 	snop  }
__scs_overlays_trampoline_lowered:
0x8: {  	[smem:$0x3FA9] =	sst s0  }
0x9: {  	[smem:$0x3FAA] =	sst s1  }
0xa: {  	[smem:$0x3FAB] =	sst s2  }
0xb: {  	[smem:$0x3FAC] =	sst s3  }
0xc: {  	[smem:$0x3FAD] =	sst s4  }
0xd: {  	[smem:$0x3FAE] =	sst s5  }
0xe: {  	[smem:$0x3FAF] =	sst s6  }
0xf: {  	[smem:$0x3FB0] =	sst s7  }
0x10: {  	[smem:$0x3FB1] =	sst s8  }
0x11: {  	[smem:$0x3FB2] =	sst s9;
	s0 =	simm.s32 @!p0 $0x0  }
0x12: {  	s1 =	sld [smem:$0x3F98];
	s0 =	simm.s32 @p0 $0x1  }
0x13: {  	[smem:$0x3FB3] =	sst s0;
	s0 =	simm.s32 @!p1 $0x0  }
0x14: {  	s2 =	sld [smem:$0x3F97];
	s0 =	simm.s32 @p1 $0x1  }
0x15: {  	[smem:$0x3FB4] =	sst s0;
	s0 =	simm.s32 @!p2 $0x0  }
0x16: {  	s3 =	sld [smem:$0x3FDB];
	s0 =	simm.s32 @p2 $0x1  }
0x17: {  	s4 =	simm.s32 $0x1BF5;
	[smem:$0x3FB6] =	sst s0  }
0x18: {  	s0 =	sld [smem:$0x3F99];
	_ =	swait.ge [sflag:s4], $0x0  }
0x19: {  	s7 =	sld [smem:$0x3F9A]  }
0x1a: {  	s8 =	sadd.s32 $0xFFFFE003, lr  }
0x1b: {  	s9 =	sadd.s32 $0xFFFFFEF7, lr;
	s5 =	simm.s32 $0xFFFFFFFF;
	p2 =	slt.u32 s8, $0xFFFFF086  }
0x1c: {  	p1 =	slt.u32 s9, $0xF7A;
	s5 =	simm.s32 @!p2 $0x0  }
0x1d: {  	s5 =	simm.s32 @p1 $0x1;
	p0 =	seq.s32 s7, s2  }
0x1e: {  	s7 =	smul.u32 @!p0 $0xF7A, s2;
	p2 =	seq.s32 @!p0 s5, $0x0  }
0x1f: {  	s9 =	smul.u32 $0xF7A, s1;
	s8 =	simm.s32 @!p0 $0x1BF5;
	p2 =	por !p2, p0  }
0x20: {  	[sflag:s8] =	ssyncset.s32 @!p0 $0xFFFFF086;
	s6 =	sadd.s32 @!p0 s3, s7;
	s7 =	simm.s32 @!p0 $0x108  }
0x21: {  	s3 =	sadd.s32 s3, s9;
	s6 =	sadd.s32 @!p0 $0x88, s6;
	s7 =	simm.s32 @p2 $0x1082  }
0x22: {  	[simem:s7], [sflag:s8] =	dma.local @!p0 [hbm:s6], $0xF7A  }
0x23: {  	s9 =	sor.u32 $0xD0000000, s2;
	s6 =	simm.s32 $0x108;
	_ =	swait.ge @!p0 [sflag:s8], $0x0  }
0x24: {  	s3 =	sadd.s32 $0x88, s3;
	s6 =	simm.s32 @!p1 $0x1082;
	[sflag:s4] =	ssyncset.s32 $0xFFFFF086  }
0x25: {  	[simem:s6], [sflag:s4] =	dma.local [hbm:s3], $0xF7A  }
0x26: {  	[smem:$0x3F9A] =	sst s1;
	(tag) =	ssettag s2;
	_ =	strace s9  }
0x27: {  	s1 =	sld [smem:$0x3FAA]  }
0x28: {  	s2 =	sld [smem:$0x3FAB]  }
0x29: {  	s4 =	sld [smem:$0x3FAD]  }
0x2a: {  	p0 =	seq.s32 s5, $0x0;
	s5 =	sld [smem:$0x3FAE]  }
0x2b: {  	s6 =	sld [smem:$0x3FAF]  }
0x2c: {  	s7 =	sld [smem:$0x3FB0]  }
0x2d: {  	s3 =	simm.s32 $0x108;
	s8 =	sld [smem:$0x3FB1]  }
0x2e: {  	s3 =	simm.s32 @!p0 $0x1082;
	s9 =	sld [smem:$0x3FB2]  }
0x2f: {  	lr =	sadd.s32 s0, s3;
	s0 =	sld [smem:$0x3FA9]  }
0x30: {  	s3 =	sld [smem:$0x3FAC]  }
0x31: {  	[smem:$0x3FB5] =	sst s10  }
0x32: {  	s10 =	sld [smem:$0x3FB3];
	_ =	sdelay $0x3  }
0x33: {  	p0 =	seq.s32 s10, $0x1;
	s10 =	sld [smem:$0x3FB5];
	_ =	sdelay $0x3  }
0x34: {  	[smem:$0x3FB5] =	sst s10  }
0x35: {  	s10 =	sld [smem:$0x3FB4];
	_ =	sdelay $0x3  }
0x36: {  	p1 =	seq.s32 s10, $0x1;
	s10 =	sld [smem:$0x3FB5];
	_ =	sdelay $0x3  }
0x37: {  	[smem:$0x3FB5] =	sst s10  }
0x38: {  	s10 =	sld [smem:$0x3FB6]  }
0x39: {  	_ = 	snop;
	(pc) =	sbr.ind lr, $3  }
0x3a: {  	_ = 	snop  }
0x3b: {  	_ = 	snop  }
0x3c: {  	p2 =	seq.s32 s10, $0x1;
	s10 =	sld [smem:$0x3FB5]  }
0x3d: {  	_ =	shalt  }
0x3e: {  	_ =	shalt  }
0x3f: {  	_ =	shalt  }
0x40: {  	_ =	shalt  }
0x41: {  	_ =	shalt  }
0x42: {  	_ =	shalt  }
0x43: {  	_ =	shalt  }
0x44: {  	_ =	shalt  }
0x45: {  	_ =	shalt  }
0x46: {  	_ =	shalt  }
0x47: {  	_ =	shalt  }
0x48: {  	_ =	shalt  }
0x49: {  	_ =	shalt  }
0x4a: {  	_ =	shalt  }
0x4b: {  	_ =	shalt  }
0x4c: {  	_ =	shalt  }
0x4d: {  	_ =	shalt  }
0x4e: {  	_ =	shalt  }
0x4f: {  	_ =	shalt  }
0x50: {  	_ =	shalt  }
0x51: {  	_ =	shalt  }
0x52: {  	_ =	shalt  }
0x53: {  	_ =	shalt  }
0x54: {  	_ =	shalt  }
0x55: {  	_ =	shalt  }
0x56: {  	_ =	shalt  }
0x57: {  	_ =	shalt  }
0x58: {  	_ =	shalt  }
0x59: {  	_ =	shalt  }
0x5a: {  	_ =	shalt  }
0x5b: {  	_ =	shalt  }
0x5c: {  	_ =	shalt  }
0x5d: {  	_ =	shalt  }
0x5e: {  	_ =	shalt  }
0x5f: {  	_ =	shalt  }
0x60: {  	_ =	shalt  }
0x61: {  	_ =	shalt  }
0x62: {  	_ =	shalt  }
0x63: {  	_ =	shalt  }
0x64: {  	_ =	shalt  }
0x65: {  	_ =	shalt  }
0x66: {  	_ =	shalt  }
0x67: {  	_ =	shalt  }
0x68: {  	_ =	shalt  }
0x69: {  	_ =	shalt  }
0x6a: {  	_ =	shalt  }
0x6b: {  	_ =	shalt  }
0x6c: {  	_ =	shalt  }
0x6d: {  	_ =	shalt  }
0x6e: {  	_ =	shalt  }
0x6f: {  	_ =	shalt  }
0x70: {  	_ =	shalt  }
0x71: {  	_ =	shalt  }
0x72: {  	_ =	shalt  }
0x73: {  	_ =	shalt  }
0x74: {  	_ =	shalt  }
0x75: {  	_ =	shalt  }
0x76: {  	_ =	shalt  }
0x77: {  	_ =	shalt  }
0x78: {  	_ =	shalt  }
0x79: {  	_ =	shalt  }
0x7a: {  	_ =	shalt  }
0x7b: {  	_ =	shalt  }
0x7c: {  	_ =	shalt  }
0x7d: {  	_ =	shalt  }
0x7e: {  	_ =	shalt  }
0x7f: {  	_ =	shalt  }
0x80: {  	_ =	shalt  }
0x81: {  	_ =	shalt  }
0x82: {  	_ =	shalt  }
0x83: {  	_ =	shalt  }
0x84: {  	_ =	shalt  }
0x85: {  	_ =	shalt  }
0x86: {  	_ =	shalt  }
0x87: {  	_ =	shalt  }
.Lfunc_end0:
.L_simem_size_0:
called_computation_lowered:
.L_overlay_start_0:
0x88: {  	s2 =	sld [smem:$0x3FD9]  }
0x89: {  	s3 =	sld [smem:$0x3FFE];
	_ =	sdelay $0x1  }
0x8a: {  	s1 =	srdreg.scid  }
0x8b: {  	s0 =	sand.u32 $0x1, s1  }
0x8c: {  	s17 =	sshll.u32 s0, $0xA;
	s2 =	sadd.s32 s3, s2  }
0x8d: {  	s2 =	sadd.s32 s2, s17  }
0x8e: {  	[smem:$0x3FC1] =	sst s2  }
0x8f: {  	_ = 	snop  }
0x90: {  	s2 =	sld [smem:$0x3FD0];
	(tm) =	ssettm $0x1  }
0x91: {  	s18 =	sld [smem:$0x3FFB];
	_ =	sdelay $0x3  }
0x92: {  	_ =	strace s18  }
0x93: {  	s3 =	sld [smem:$0x3FFC];
	_ =	sdelay $0x3  }
0x94: {  	_ =	strace s3  }
0x95: {  	s3 =	sld [smem:$0x3FFD];
	_ =	sdelay $0x3  }
0x96: {  	_ =	strace s3  }
0x97: {  	_ =	strace $0x8FFFFFFF  }
0x98: {  	s19 =	sld [smem:$0x3FDB];
	_ =	sdelay $0x1  }
0x99: {  	s4 =	simm.s32 $_scs_section_size  }
0x9a: {  	s5 =	simm.s32 $_size__tile_overlayer_lowered;
	s6 =	simm.s32 $_tile_overlayer_lowered  }
0x9b: {  	s22 =	simm.s32 $0x1BFF;
	s21 =	sshll.u32 s6, $0x1;
	s3 =	sadd.s32 s4, s19  }
0x9c: {  	s7 =	simm.s32 $0x0;
	s20 =	sshll.u32 s5, $0x1;
	s5 =	sadd.s32 s21, s3  }
0x9d: {  	[timem:s7], [sflag:s22] =	dma.local [hbm:s5], s20  }
0x9e: {  	_ =	swait.ge [sflag:s22], s20  }
0x9f: {  	s4 =	ssub.s32 $0x0, s20;
	[sflag:s22] =	ssyncset.done $0x0  }
0xa0: {  	[sflag:s22] =	ssyncadd.s32 s4;
	_ =	sdelay $0x1  }
0xa1: {  	s23 =	simm.s32 $0x1B8B  }
0xa2: {  	_ =	swait.ge [sflag:s23], $0x1  }
0xa3: {  	[sflag:s23] =	ssyncset.done $0x0  }
0xa4: {  	s25 =	simm.s32 $0x1B8E;
	s24 =	sld [smem:$0x3FFE];
	[sflag:s23] =	ssyncadd.s32 $0xFFFFFFFF  }
0xa5: {  	s26 =	simm.s32 $execute0_lowered;
	[smem:$0x3FD2] =	sst s25  }
0xa6: {  	s5 =	sshll.u32 s26, $0x1;
	_ =	strace $0x80000046;
	[dreg:$0x1] =	wrdreg $0xFFFFFFFF  }
0xa7: {  	s28 =	simm.s32 $_size_execute0_lowered;
	s3 =	sadd.s32 s3, s5;
	[dreg:$0x0] =	wrdreg $0x0  }
0xa8: {  	s5 =	sshll.u32 s28, $0x1;
	[dreg:$0x2] =	wrdreg s3  }
0xa9: {  	[dreg:$0x3] =	wrdreg s5  }
0xaa: {  	[dreg:$0x4] =	wrdreg $0xC0  }
0xab: {  	_ =	task [dreg:s7], $0x5FFFF  }
0xac: {  	[dreg:$0x1] =	wrdreg $0xFFFFFFFF  }
0xad: {  	[dreg:$0x0] =	wrdreg $0x60  }
0xae: {  	[dreg:$0x2] =	wrdreg s24  }
0xaf: {  	[dreg:$0x3] =	wrdreg s2  }
0xb0: {  	[dreg:$0x4] =	wrdreg $0x9  }
0xb1: {  	_ =	task.clear_ibuf [dreg:s7], $0x5FFFF;
	_ =	strace $0x90000046  }
0xb2: {  	s29 =	simm.s32 $0x9;
	_ =	strace $0x80000048  }
0xb3: {  	_ =	swait.ge [sflag:s29], $0x1  }
0xb4: {  	[sflag:s29] =	ssyncadd.s32 $0xFFFFFFFF  }
0xb5: {  	_ =	strace $0x90000048  }
0xb6: {  	_ =	sfence  }
0xb7: {  	s30 =	sld [smem:$0x0];
	_ =	sdelay $0x2  }
0xb8: {  	s31 =	sshll.u32 s1, $0xD;
	s1 =	sshrl.u32 s1, $0x2  }
0xb9: {  	s3 =	sand.u32 $0x4000, s31;
	s1 =	sadd.s32 s1, s30  }
0xba: {  	s0 =	sor.u32 s3, s0;
	s1 =	sshll.u32 s1, $0x11  }
0xbb: {  	s0 =	sor.u32 s1, s0  }
0xbc: {  	s0 =	sadd.s32 $0x8F2B, s0  }
0xbd: {  	[sflag:s0] =	ssyncadd.remote.s32 $0x1  }
0xbe: {  	_ =	sfence.sel $0xFFFF  }
0xbf: {  	[dreg:$0x0] =	wrdreg $0xFFFFFFFF;
	(pc) =	sbr.abs _section_cstart, $3  }
0xc0: {  	[dreg:$0x1] =	wrdreg $0xFFFFFFFF  }
0xc1: {  	_ =	task.clear_ibuf [dreg:s7], $0x2FFFF;
	_ =	strace $0x9FFFFFFF  }
0xc2: {  	(tm) =	ssettm $0x7FFFFFFF  }
0xc3: {  	_ =	shalt  }
tec
execute0_lowered:
.L_overlay_start_1:
0x0: {  	(tag) =	ssettag $0x1  }
0x1: {  	s0 =	rddreg [dreg:$0x0]  }
0x2: {  	s2 =	rddreg [dreg:$0x1]  }
0x3: {  	s1 =	srdreg.scid;
	s6 =	stileid.u32  }
0x4: {  	s3 =	simm.s32 $0x0;
	s13 =	simm.s32 $0x3;
	s9 =	simm.s32 $0x1  }
0x5: {  	s26 =	simm.s32 $0x180;
	s18 =	simm.s32 $0x2;
	s28 =	simm.s32 $0x3B80  }
0x6: {  	s29 =	simm.s32 $0x4380;
	s30 =	simm.s32 $0x4B80;
	s31 =	simm.s32 $0x5380  }
0x7: {  	s10 =	simm.s32 $0x6B80;
	s11 =	simm.s32 $0x7380;
	s12 =	simm.s32 $0x7B80  }
0x8: {  	s14 =	simm.s32 $0x9380;
	s15 =	simm.s32 $0x9B80;
	s16 =	simm.s32 $0xA380  }
0x9: {  	s17 =	simm.s32 $0xAB80;
	s1 =	sand.u32 $0x1, s1;
	s4 =	sshll.u32 s6, $0x1  }
0xa: {  	[smem:$0x7FF] =	sst s3;
	s6 =	sshll.u32 s6, $0x6;
	s21 =	sadd.s32 $0x82010, s0  }
0xb: {  	s4 =	sor.u32 s1, s4;
	_ =	strace $0x80000047;
	[dreg:$0x4] =	wrdreg s21  }
0xc: {  	s6 =	sand.u32 $0x380, s6;
	s1 =	ssub.s32 $0x2, s1;
	[dreg:$0xa] =	wrdreg s26  }
0xd: {  	s21 =	simm.s32 $0x1380;
	s26 =	simm.s32 $0x3380;
	s5 =	sshll.u32 s4, $0xE  }
0xe: {  	s7 =	sshll.u32 s4, $0x5;
	s6 =	sadd.s32 s6, s0;
	s4 =	sshll.u32 s4, $0x6  }
0xf: {  	s25 =	sshrl.u32 s1, $0x1;
	s5 =	sadd.s32 s5, s0;
	s7 =	sand.u32 $0x60, s7  }
0x10: {  	s0 =	sadd.s32 s4, s0;
	s1 =	ssub.s32 s1, s25;
	s4 =	sadd.s32 $0x100, s2  }
0x11: {  	s25 =	simm.s32 $0xB380;
	s8 =	sadd.s32 $0x1C00, s5;
	s6 =	sadd.s32 s7, s6  }
0x12: {  	s22 =	sadd.s32 $0x2C00, s5;
	s23 =	sadd.s32 $0x3C00, s5;
	[dreg:$0x3] =	wrdreg s8  }
0x13: {  	s24 =	sadd.s32 $0x4C00, s5;
	s0 =	sadd.s32 $0x82200, s0;
	[dreg:$0x6] =	wrdreg s22  }
0x14: {  	s5 =	smax.u32 s1, $0x1;
	s7 =	simm.s32 $0x100;
	[dreg:$0x7] =	wrdreg s23  }
0x15: {  	v2 =	vlaneseq.u32;
	s1 =	simm.s32 $0x6380;
	s6 =	sadd.s32 $0x81C00, s6;
	[dreg:$0x8] =	wrdreg s24  }
0x16: {  	vm0 =	vmmov $0xffff;
	v1 =	vshrl.u32 v2, $0x3;
	[dreg:$0x9] =	wrdreg s0;
	s22 =	simm.s32 $0x1B80;
	s23 =	simm.s32 $0x2380  }
0x17: {  	v0 =	vand.u32 $0x7, v2;
	v2 =	vor.u32 $0x8, v2;
	v1 =	vmul.u32 $0x8, v1;
	s24 =	simm.s32 $0x2B80;
	[dreg:$0x5] =	wrdreg s6;
	s6 =	simm.s32 $0x5B80  }
.LBB2_1:
0x18: {  	s19 =	rddreg [dreg:$0x3];
	s0 =	simm.s32 $0x380  }
0x19: {  	[tilespmem:s0], [sflag:$0x1] =	stream.linear.gather [hbm4b:s19+s3], $0x8000, $0x38;
	[tilespmem:$0x10380] =	vst v63  }
0x1a: {  	s20 =	rddreg [dreg:$0x4]  }
0x1b: {  	[tilespmem:s7], [sflag:$0x3] =	stream.linear.gather [hbm4b:s20+s3], $0x10, $0x38;
	[tilespmem:$0x10380] =	vst v63  }
0x1c: {  	_ =	swait.ge [sflag:s13], $0x10  }
0x1d: {  	[sflag:s13] =	ssyncset.done $0x0  }
0x1e: {  	s20 =	rddreg [dreg:$0x5];
	[sflag:s13] =	ssyncadd.s32 $0xFFFFFFF0  }
0x1f: {  	[tilespmem:s3], [sflag:$0x3] =	stream.linear.gather [hbm4b:s20+s3], $0x100, $0x38;
	[tilespmem:$0x10380] =	vst v63  }
0x20: {  	_ =	swait.ge [sflag:s13], $0x100  }
0x21: {  	[sflag:s13] =	ssyncset.done $0x0  }
0x22: {  	[sflag:s13] =	ssyncadd.s32 $0xFFFFFF00  }
0x23: {  	v3 =	vld [tilespmem:$0x0];
	_ =	sdelay $0x4  }
0x24: {  	v4 =	vshra.s32 v3, $0x10;
	_ =	sdelay $0x1  }
0x25: {  	v5 =	vld [tilespmem:$0x10];
	_ =	sdelay $0x2  }
0x26: {  	v4 =	vld.idx.msk [tilespmem:v4+s7+$0x0], $0xffff;
	_ =	sdelay $0x1  }
0x27: {  	v6 =	vshra.s32 v5, $0x10;
	_ =	sdelay $0x1  }
0x28: {  	v7 =	vld [tilespmem:$0x20];
	v3 =	vand.u32 $0xFFFF, v3  }
0x29: {  	v3 =	vadd.s32 v3, v4  }
0x2a: {  	[tilespmem:$0x180] =	vst v3  }
0x2b: {  	v59 =	vld.idx.msk [tilespmem:v6+s7+$0x0], $0xffff;
	_ =	sdelay $0x1  }
0x2c: {  	v60 =	vshra.s32 v7, $0x10;
	_ =	sdelay $0x1  }
0x2d: {  	v8 =	vld [tilespmem:$0x30];
	v5 =	vand.u32 $0xFFFF, v5  }
0x2e: {  	v4 =	vadd.s32 v5, v59  }
0x2f: {  	[tilespmem:$0x190] =	vst v4  }
0x30: {  	v4 =	vld.idx.msk [tilespmem:v60+s7+$0x0], $0xffff;
	_ =	sdelay $0x1  }
0x31: {  	v61 =	vshra.s32 v8, $0x10;
	_ =	sdelay $0x1  }
0x32: {  	v63 =	vld [tilespmem:$0x40];
	v62 =	vand.u32 $0xFFFF, v7  }
0x33: {  	v4 =	vadd.s32 v62, v4  }
0x34: {  	[tilespmem:$0x1A0] =	vst v4  }
0x35: {  	v4 =	vld.idx.msk [tilespmem:v61+s7+$0x0], $0xffff;
	_ =	sdelay $0x1  }
0x36: {  	v12 =	vshra.s32 v63, $0x10;
	_ =	sdelay $0x1  }
0x37: {  	v14 =	vld [tilespmem:$0x50];
	v13 =	vand.u32 $0xFFFF, v8  }
0x38: {  	v4 =	vadd.s32 v13, v4  }
0x39: {  	[tilespmem:$0x1B0] =	vst v4  }
0x3a: {  	v4 =	vld.idx.msk [tilespmem:v12+s7+$0x0], $0xffff;
	_ =	sdelay $0x1  }
0x3b: {  	v15 =	vshra.s32 v14, $0x10;
	_ =	sdelay $0x1  }
0x3c: {  	v17 =	vld [tilespmem:$0x60];
	v16 =	vand.u32 $0xFFFF, v63  }
0x3d: {  	v4 =	vadd.s32 v16, v4  }
0x3e: {  	[tilespmem:$0x200] =	vst v4  }
0x3f: {  	v4 =	vld.idx.msk [tilespmem:v15+s7+$0x0], $0xffff;
	_ =	sdelay $0x1  }
0x40: {  	v18 =	vshra.s32 v17, $0x10;
	_ =	sdelay $0x1  }
0x41: {  	v20 =	vld [tilespmem:$0x70];
	v19 =	vand.u32 $0xFFFF, v14  }
0x42: {  	v4 =	vadd.s32 v19, v4  }
0x43: {  	[tilespmem:$0x210] =	vst v4  }
0x44: {  	v4 =	vld.idx.msk [tilespmem:v18+s7+$0x0], $0xffff;
	_ =	sdelay $0x1  }
0x45: {  	v21 =	vshra.s32 v20, $0x10;
	_ =	sdelay $0x1  }
0x46: {  	v23 =	vld [tilespmem:$0x80];
	v22 =	vand.u32 $0xFFFF, v17  }
0x47: {  	v4 =	vadd.s32 v22, v4  }
0x48: {  	[tilespmem:$0x220] =	vst v4  }
0x49: {  	v4 =	vld.idx.msk [tilespmem:v21+s7+$0x0], $0xffff;
	_ =	sdelay $0x1  }
0x4a: {  	v24 =	vshra.s32 v23, $0x10;
	_ =	sdelay $0x1  }
0x4b: {  	v26 =	vld [tilespmem:$0x90];
	v25 =	vand.u32 $0xFFFF, v20  }
0x4c: {  	v4 =	vadd.s32 v25, v4  }
0x4d: {  	[tilespmem:$0x230] =	vst v4  }
0x4e: {  	v4 =	vld.idx.msk [tilespmem:v24+s7+$0x0], $0xffff;
	_ =	sdelay $0x1  }
0x4f: {  	v27 =	vshra.s32 v26, $0x10;
	_ =	sdelay $0x1  }
0x50: {  	v29 =	vld [tilespmem:$0xA0];
	v28 =	vand.u32 $0xFFFF, v23  }
0x51: {  	v4 =	vadd.s32 v28, v4  }
0x52: {  	[tilespmem:$0x280] =	vst v4  }
0x53: {  	v4 =	vld.idx.msk [tilespmem:v27+s7+$0x0], $0xffff;
	_ =	sdelay $0x1  }
0x54: {  	v30 =	vshra.s32 v29, $0x10;
	_ =	sdelay $0x1  }
0x55: {  	v32 =	vld [tilespmem:$0xB0];
	v31 =	vand.u32 $0xFFFF, v26  }
0x56: {  	v4 =	vadd.s32 v31, v4  }
0x57: {  	[tilespmem:$0x290] =	vst v4  }
0x58: {  	v4 =	vld.idx.msk [tilespmem:v30+s7+$0x0], $0xffff;
	_ =	sdelay $0x1  }
0x59: {  	v33 =	vshra.s32 v32, $0x10;
	_ =	sdelay $0x1  }
0x5a: {  	v35 =	vld [tilespmem:$0xC0];
	v34 =	vand.u32 $0xFFFF, v29  }
0x5b: {  	v4 =	vadd.s32 v34, v4  }
0x5c: {  	[tilespmem:$0x2A0] =	vst v4  }
0x5d: {  	v4 =	vld.idx.msk [tilespmem:v33+s7+$0x0], $0xffff;
	_ =	sdelay $0x1  }
0x5e: {  	v36 =	vshra.s32 v35, $0x10;
	_ =	sdelay $0x1  }
0x5f: {  	v38 =	vld [tilespmem:$0xD0];
	v37 =	vand.u32 $0xFFFF, v32  }
0x60: {  	v4 =	vadd.s32 v37, v4  }
0x61: {  	[tilespmem:$0x2B0] =	vst v4  }
0x62: {  	v4 =	vld.idx.msk [tilespmem:v36+s7+$0x0], $0xffff;
	_ =	sdelay $0x1  }
0x63: {  	v39 =	vshra.s32 v38, $0x10;
	_ =	sdelay $0x1  }
0x64: {  	v41 =	vld [tilespmem:$0xE0];
	v40 =	vand.u32 $0xFFFF, v35  }
0x65: {  	v4 =	vadd.s32 v40, v4  }
0x66: {  	[tilespmem:$0x300] =	vst v4  }
0x67: {  	v4 =	vld.idx.msk [tilespmem:v39+s7+$0x0], $0xffff;
	_ =	sdelay $0x1  }
0x68: {  	v42 =	vshra.s32 v41, $0x10;
	_ =	sdelay $0x1  }
0x69: {  	v44 =	vld [tilespmem:$0xF0];
	v43 =	vand.u32 $0xFFFF, v38  }
0x6a: {  	v4 =	vadd.s32 v43, v4  }
0x6b: {  	[tilespmem:$0x310] =	vst v4  }
0x6c: {  	v4 =	vld.idx.msk [tilespmem:v42+s7+$0x0], $0xffff;
	_ =	sdelay $0x1  }
0x6d: {  	v45 =	vshra.s32 v44, $0x10;
	_ =	sdelay $0x1  }
0x6e: {  	v46 =	vand.u32 $0xFFFF, v41  }
0x6f: {  	v4 =	vadd.s32 v46, v4  }
0x70: {  	[tilespmem:$0x320] =	vst v4  }
0x71: {  	v47 =	vshll.u32 v3, $0x2;
	v4 =	vld.idx.msk [tilespmem:v45+s7+$0x0], $0xffff  }
0x72: {  	v3 =	vand.u32 $0x7, v3;
	v5 =	vand.u32 $0xFFFFFFE0, v47  }
0x73: {  	v3 =	vor.u32 v3, v5  }
0x74: {  	v5 =	vperm.xlane v3, v0  }
0x75: {  	v48 =	vand.u32 $0xFFFF, v44  }
0x76: {  	v5 =	vadd.s32 v1, v5;
	v4 =	vadd.s32 v48, v4  }
0x77: {  	[tilespmem:$0x330] =	vst v4  }
0x78: {  	v3 =	vperm.xlane v3, v2;
	_ =	swait.ge [sflag:s9], $0x8000  }
0x79: {  	[sflag:s9] =	ssyncset.done $0x0  }
0x7a: {  	s8 =	simm.s32 $0x380;
	v3 =	vadd.s32 v1, v3;
	[sflag:s9] =	ssyncadd.s32 $0xFFFF8000  }
0x7b: {  	[hbm4b:s2+s3] =	stream.indirect_vreg.scatter [tilespmem:s8], [sflag:$0x2], $0x80, v5, vm0, $0xb8;
	[tilespmem:$0x10380] =	vst v63  }
0x7c: {  	s20 =	simm.s32 $0xB80  }
0x7d: {  	[hbm4b:s4+s3] =	stream.indirect_vreg.scatter [tilespmem:s20], [sflag:$0x2], $0x80, v5, vm0, $0xb8;
	[tilespmem:$0x10380] =	vst v63  }
0x7e: {  	_ = 	snop  }
0x7f: {  	[hbm4b:s2+s3] =	stream.indirect_vreg.scatter [tilespmem:s21], [sflag:$0x2], $0x80, v3, vm0, $0xb8;
	[tilespmem:$0x10380] =	vst v63  }
0x80: {  	_ = 	snop  }
0x81: {  	[hbm4b:s4+s3] =	stream.indirect_vreg.scatter [tilespmem:s22], [sflag:$0x2], $0x80, v3, vm0, $0xb8;
	[tilespmem:$0x10380] =	vst v63  }
0x82: {  	v3 =	vld [tilespmem:$0x190];
	_ =	sdelay $0x4  }
0x83: {  	v49 =	vshll.u32 v3, $0x2  }
0x84: {  	v3 =	vand.u32 $0x7, v3;
	v4 =	vand.u32 $0xFFFFFFE0, v49  }
0x85: {  	v3 =	vor.u32 v3, v4  }
0x86: {  	v4 =	vperm.xlane v3, v0;
	_ =	sdelay $0x1  }
0x87: {  	v4 =	vadd.s32 v1, v4;
	_ =	sdelay $0x1  }
0x88: {  	v3 =	vperm.xlane v3, v2;
	_ =	sdelay $0x1  }
0x89: {  	v3 =	vadd.s32 v1, v3  }
0x8a: {  	[hbm4b:s2+s3] =	stream.indirect_vreg.scatter [tilespmem:s23], [sflag:$0x2], $0x80, v4, vm0, $0xb8;
	[tilespmem:$0x10380] =	vst v63  }
0x8b: {  	_ = 	snop  }
0x8c: {  	[hbm4b:s4+s3] =	stream.indirect_vreg.scatter [tilespmem:s24], [sflag:$0x2], $0x80, v4, vm0, $0xb8;
	[tilespmem:$0x10380] =	vst v63  }
0x8d: {  	_ = 	snop  }
0x8e: {  	[hbm4b:s2+s3] =	stream.indirect_vreg.scatter [tilespmem:s26], [sflag:$0x2], $0x80, v3, vm0, $0xb8;
	[tilespmem:$0x10380] =	vst v63  }
0x8f: {  	_ = 	snop  }
0x90: {  	[hbm4b:s4+s3] =	stream.indirect_vreg.scatter [tilespmem:s28], [sflag:$0x2], $0x80, v3, vm0, $0xb8;
	[tilespmem:$0x10380] =	vst v63  }
0x91: {  	v3 =	vld [tilespmem:$0x1A0];
	_ =	sdelay $0x4  }
0x92: {  	v50 =	vshll.u32 v3, $0x2  }
0x93: {  	v3 =	vand.u32 $0x7, v3;
	v4 =	vand.u32 $0xFFFFFFE0, v50  }
0x94: {  	v3 =	vor.u32 v3, v4  }
0x95: {  	v4 =	vperm.xlane v3, v0;
	_ =	sdelay $0x1  }
0x96: {  	v4 =	vadd.s32 v1, v4;
	_ =	sdelay $0x1  }
0x97: {  	v3 =	vperm.xlane v3, v2;
	_ =	sdelay $0x1  }
0x98: {  	v3 =	vadd.s32 v1, v3  }
0x99: {  	[hbm4b:s2+s3] =	stream.indirect_vreg.scatter [tilespmem:s29], [sflag:$0x2], $0x80, v4, vm0, $0xb8;
	[tilespmem:$0x10380] =	vst v63  }
0x9a: {  	_ = 	snop  }
0x9b: {  	[hbm4b:s4+s3] =	stream.indirect_vreg.scatter [tilespmem:s30], [sflag:$0x2], $0x80, v4, vm0, $0xb8;
	[tilespmem:$0x10380] =	vst v63  }
0x9c: {  	_ = 	snop  }
0x9d: {  	[hbm4b:s2+s3] =	stream.indirect_vreg.scatter [tilespmem:s31], [sflag:$0x2], $0x80, v3, vm0, $0xb8;
	[tilespmem:$0x10380] =	vst v63  }
0x9e: {  	_ = 	snop  }
0x9f: {  	[hbm4b:s4+s3] =	stream.indirect_vreg.scatter [tilespmem:s6], [sflag:$0x2], $0x80, v3, vm0, $0xb8;
	[tilespmem:$0x10380] =	vst v63  }
0xa0: {  	v3 =	vld [tilespmem:$0x1B0];
	_ =	sdelay $0x4  }
0xa1: {  	v51 =	vshll.u32 v3, $0x2  }
0xa2: {  	v3 =	vand.u32 $0x7, v3;
	v4 =	vand.u32 $0xFFFFFFE0, v51  }
0xa3: {  	v3 =	vor.u32 v3, v4  }
0xa4: {  	v4 =	vperm.xlane v3, v0;
	_ =	sdelay $0x1  }
0xa5: {  	v4 =	vadd.s32 v1, v4;
	_ =	sdelay $0x1  }
0xa6: {  	v3 =	vperm.xlane v3, v2;
	_ =	sdelay $0x1  }
0xa7: {  	v3 =	vadd.s32 v1, v3  }
0xa8: {  	[hbm4b:s2+s3] =	stream.indirect_vreg.scatter [tilespmem:s1], [sflag:$0x2], $0x80, v4, vm0, $0xb8;
	[tilespmem:$0x10380] =	vst v63  }
0xa9: {  	_ = 	snop  }
0xaa: {  	[hbm4b:s4+s3] =	stream.indirect_vreg.scatter [tilespmem:s10], [sflag:$0x2], $0x80, v4, vm0, $0xb8;
	[tilespmem:$0x10380] =	vst v63  }
0xab: {  	_ = 	snop  }
0xac: {  	[hbm4b:s2+s3] =	stream.indirect_vreg.scatter [tilespmem:s11], [sflag:$0x2], $0x80, v3, vm0, $0xb8;
	[tilespmem:$0x10380] =	vst v63  }
0xad: {  	_ = 	snop  }
0xae: {  	[hbm4b:s4+s3] =	stream.indirect_vreg.scatter [tilespmem:s12], [sflag:$0x2], $0x80, v3, vm0, $0xb8;
	[tilespmem:$0x10380] =	vst v63  }
0xaf: {  	s0 =	simm.s32 $0x8380;
	s8 =	rddreg [dreg:$0x6]  }
0xb0: {  	[tilespmem:s0], [sflag:$0x1] =	stream.linear.gather [hbm4b:s8+s3], $0x8000, $0x38;
	[tilespmem:$0x10380] =	vst v63  }
0xb1: {  	_ =	swait.ge [sflag:s9], $0x8000  }
0xb2: {  	[sflag:s9] =	ssyncset.done $0x0  }
0xb3: {  	[sflag:s9] =	ssyncadd.s32 $0xFFFF8000  }
0xb4: {  	v3 =	vld [tilespmem:$0x200];
	_ =	sdelay $0x4  }
0xb5: {  	v52 =	vshll.u32 v3, $0x2  }
0xb6: {  	v3 =	vand.u32 $0x7, v3;
	v4 =	vand.u32 $0xFFFFFFE0, v52  }
0xb7: {  	v3 =	vor.u32 v3, v4  }
0xb8: {  	v4 =	vperm.xlane v3, v0;
	_ =	sdelay $0x1  }
0xb9: {  	v4 =	vadd.s32 v1, v4;
	_ =	sdelay $0x1  }
0xba: {  	v3 =	vperm.xlane v3, v2;
	_ =	sdelay $0x1  }
0xbb: {  	v3 =	vadd.s32 v1, v3  }
0xbc: {  	[hbm4b:s2+s3] =	stream.indirect_vreg.scatter [tilespmem:s0], [sflag:$0x2], $0x80, v4, vm0, $0xb8;
	[tilespmem:$0x10380] =	vst v63  }
0xbd: {  	s8 =	simm.s32 $0x8B80  }
0xbe: {  	[hbm4b:s4+s3] =	stream.indirect_vreg.scatter [tilespmem:s8], [sflag:$0x2], $0x80, v4, vm0, $0xb8;
	[tilespmem:$0x10380] =	vst v63  }
0xbf: {  	_ = 	snop  }
0xc0: {  	[hbm4b:s2+s3] =	stream.indirect_vreg.scatter [tilespmem:s14], [sflag:$0x2], $0x80, v3, vm0, $0xb8;
	[tilespmem:$0x10380] =	vst v63  }
0xc1: {  	_ = 	snop  }
0xc2: {  	[hbm4b:s4+s3] =	stream.indirect_vreg.scatter [tilespmem:s15], [sflag:$0x2], $0x80, v3, vm0, $0xb8;
	[tilespmem:$0x10380] =	vst v63  }
0xc3: {  	v3 =	vld [tilespmem:$0x210];
	_ =	sdelay $0x4  }
0xc4: {  	v53 =	vshll.u32 v3, $0x2  }
0xc5: {  	v3 =	vand.u32 $0x7, v3;
	v4 =	vand.u32 $0xFFFFFFE0, v53  }
0xc6: {  	v3 =	vor.u32 v3, v4  }
0xc7: {  	v4 =	vperm.xlane v3, v0;
	_ =	sdelay $0x1  }
0xc8: {  	v4 =	vadd.s32 v1, v4;
	_ =	sdelay $0x1  }
0xc9: {  	v3 =	vperm.xlane v3, v2;
	_ =	sdelay $0x1  }
0xca: {  	v3 =	vadd.s32 v1, v3  }
0xcb: {  	[hbm4b:s2+s3] =	stream.indirect_vreg.scatter [tilespmem:s16], [sflag:$0x2], $0x80, v4, vm0, $0xb8;
	[tilespmem:$0x10380] =	vst v63  }
0xcc: {  	_ = 	snop  }
0xcd: {  	[hbm4b:s4+s3] =	stream.indirect_vreg.scatter [tilespmem:s17], [sflag:$0x2], $0x80, v4, vm0, $0xb8;
	[tilespmem:$0x10380] =	vst v63  }
0xce: {  	_ = 	snop  }
0xcf: {  	[hbm4b:s2+s3] =	stream.indirect_vreg.scatter [tilespmem:s25], [sflag:$0x2], $0x80, v3, vm0, $0xb8;
	[tilespmem:$0x10380] =	vst v63  }
0xd0: {  	s19 =	simm.s32 $0xBB80  }
0xd1: {  	[hbm4b:s4+s3] =	stream.indirect_vreg.scatter [tilespmem:s19], [sflag:$0x2], $0x80, v3, vm0, $0xb8;
	[tilespmem:$0x10380] =	vst v63  }
0xd2: {  	v3 =	vld [tilespmem:$0x220];
	_ =	sdelay $0x4  }
0xd3: {  	v54 =	vshll.u32 v3, $0x2  }
0xd4: {  	v3 =	vand.u32 $0x7, v3;
	v4 =	vand.u32 $0xFFFFFFE0, v54  }
0xd5: {  	v3 =	vor.u32 v3, v4  }
0xd6: {  	v4 =	vperm.xlane v3, v0;
	_ =	sdelay $0x1  }
0xd7: {  	v4 =	vadd.s32 v1, v4;
	_ =	sdelay $0x1  }
0xd8: {  	v3 =	vperm.xlane v3, v2;
	_ =	sdelay $0x1  }
0xd9: {  	s19 =	simm.s32 $0xC380;
	v3 =	vadd.s32 v1, v3  }
0xda: {  	[hbm4b:s2+s3] =	stream.indirect_vreg.scatter [tilespmem:s19], [sflag:$0x2], $0x80, v4, vm0, $0xb8;
	[tilespmem:$0x10380] =	vst v63  }
0xdb: {  	s19 =	simm.s32 $0xCB80  }
0xdc: {  	[hbm4b:s4+s3] =	stream.indirect_vreg.scatter [tilespmem:s19], [sflag:$0x2], $0x80, v4, vm0, $0xb8;
	[tilespmem:$0x10380] =	vst v63  }
0xdd: {  	s19 =	simm.s32 $0xD380  }
0xde: {  	[hbm4b:s2+s3] =	stream.indirect_vreg.scatter [tilespmem:s19], [sflag:$0x2], $0x80, v3, vm0, $0xb8;
	[tilespmem:$0x10380] =	vst v63  }
0xdf: {  	s19 =	simm.s32 $0xDB80  }
0xe0: {  	[hbm4b:s4+s3] =	stream.indirect_vreg.scatter [tilespmem:s19], [sflag:$0x2], $0x80, v3, vm0, $0xb8;
	[tilespmem:$0x10380] =	vst v63  }
0xe1: {  	v3 =	vld [tilespmem:$0x230];
	_ =	sdelay $0x4  }
0xe2: {  	v55 =	vshll.u32 v3, $0x2  }
0xe3: {  	v3 =	vand.u32 $0x7, v3;
	v4 =	vand.u32 $0xFFFFFFE0, v55  }
0xe4: {  	v3 =	vor.u32 v3, v4  }
0xe5: {  	v4 =	vperm.xlane v3, v0;
	_ =	sdelay $0x1  }
0xe6: {  	v4 =	vadd.s32 v1, v4;
	_ =	sdelay $0x1  }
0xe7: {  	v3 =	vperm.xlane v3, v2;
	_ =	sdelay $0x1  }
0xe8: {  	s19 =	simm.s32 $0xE380;
	v3 =	vadd.s32 v1, v3  }
0xe9: {  	[hbm4b:s2+s3] =	stream.indirect_vreg.scatter [tilespmem:s19], [sflag:$0x2], $0x80, v4, vm0, $0xb8;
	[tilespmem:$0x10380] =	vst v63  }
0xea: {  	s19 =	simm.s32 $0xEB80  }
0xeb: {  	[hbm4b:s4+s3] =	stream.indirect_vreg.scatter [tilespmem:s19], [sflag:$0x2], $0x80, v4, vm0, $0xb8;
	[tilespmem:$0x10380] =	vst v63  }
0xec: {  	s19 =	simm.s32 $0xF380  }
0xed: {  	[hbm4b:s2+s3] =	stream.indirect_vreg.scatter [tilespmem:s19], [sflag:$0x2], $0x80, v3, vm0, $0xb8;
	[tilespmem:$0x10380] =	vst v63  }
0xee: {  	s19 =	simm.s32 $0xFB80  }
0xef: {  	[hbm4b:s4+s3] =	stream.indirect_vreg.scatter [tilespmem:s19], [sflag:$0x2], $0x80, v3, vm0, $0xb8;
	[tilespmem:$0x10380] =	vst v63  }
0xf0: {  	_ =	swait.ge [sflag:s18], $0x8000  }
0xf1: {  	[sflag:s18] =	ssyncset.done $0x0  }
0xf2: {  	s8 =	simm.s32 $0x380;
	s19 =	rddreg [dreg:$0x7];
	[sflag:s18] =	ssyncadd.s32 $0xFFFF8000  }
0xf3: {  	[tilespmem:s8], [sflag:$0x1] =	stream.linear.gather [hbm4b:s19+s3], $0x8000, $0x38;
	[tilespmem:$0x10380] =	vst v63  }
0xf4: {  	_ =	swait.ge [sflag:s9], $0x8000  }
0xf5: {  	[sflag:s9] =	ssyncset.done $0x0  }
0xf6: {  	[sflag:s9] =	ssyncadd.s32 $0xFFFF8000  }
0xf7: {  	v3 =	vld [tilespmem:$0x280];
	_ =	sdelay $0x4  }
0xf8: {  	v56 =	vshll.u32 v3, $0x2  }
0xf9: {  	v3 =	vand.u32 $0x7, v3;
	v4 =	vand.u32 $0xFFFFFFE0, v56  }
0xfa: {  	v3 =	vor.u32 v3, v4  }
0xfb: {  	v4 =	vperm.xlane v3, v0;
	_ =	sdelay $0x1  }
0xfc: {  	v4 =	vadd.s32 v1, v4;
	_ =	sdelay $0x1  }
0xfd: {  	v3 =	vperm.xlane v3, v2;
	_ =	sdelay $0x1  }
0xfe: {  	v3 =	vadd.s32 v1, v3  }
0xff: {  	[hbm4b:s2+s3] =	stream.indirect_vreg.scatter [tilespmem:s8], [sflag:$0x2], $0x80, v4, vm0, $0xb8;
	[tilespmem:$0x10380] =	vst v63  }
0x100: {  	_ = 	snop  }
0x101: {  	[hbm4b:s4+s3] =	stream.indirect_vreg.scatter [tilespmem:s20], [sflag:$0x2], $0x80, v4, vm0, $0xb8;
	[tilespmem:$0x10380] =	vst v63  }
0x102: {  	_ = 	snop  }
0x103: {  	[hbm4b:s2+s3] =	stream.indirect_vreg.scatter [tilespmem:s21], [sflag:$0x2], $0x80, v3, vm0, $0xb8;
	[tilespmem:$0x10380] =	vst v63  }
0x104: {  	_ = 	snop  }
0x105: {  	[hbm4b:s4+s3] =	stream.indirect_vreg.scatter [tilespmem:s22], [sflag:$0x2], $0x80, v3, vm0, $0xb8;
	[tilespmem:$0x10380] =	vst v63  }
0x106: {  	v3 =	vld [tilespmem:$0x290];
	_ =	sdelay $0x4  }
0x107: {  	v57 =	vshll.u32 v3, $0x2  }
0x108: {  	v3 =	vand.u32 $0x7, v3;
	v4 =	vand.u32 $0xFFFFFFE0, v57  }
0x109: {  	v3 =	vor.u32 v3, v4  }
0x10a: {  	v4 =	vperm.xlane v3, v0;
	_ =	sdelay $0x1  }
0x10b: {  	v4 =	vadd.s32 v1, v4;
	_ =	sdelay $0x1  }
0x10c: {  	v3 =	vperm.xlane v3, v2;
	_ =	sdelay $0x1  }
0x10d: {  	v3 =	vadd.s32 v1, v3  }
0x10e: {  	[hbm4b:s2+s3] =	stream.indirect_vreg.scatter [tilespmem:s23], [sflag:$0x2], $0x80, v4, vm0, $0xb8;
	[tilespmem:$0x10380] =	vst v63  }
0x10f: {  	_ = 	snop  }
0x110: {  	[hbm4b:s4+s3] =	stream.indirect_vreg.scatter [tilespmem:s24], [sflag:$0x2], $0x80, v4, vm0, $0xb8;
	[tilespmem:$0x10380] =	vst v63  }
0x111: {  	_ = 	snop  }
0x112: {  	[hbm4b:s2+s3] =	stream.indirect_vreg.scatter [tilespmem:s26], [sflag:$0x2], $0x80, v3, vm0, $0xb8;
	[tilespmem:$0x10380] =	vst v63  }
0x113: {  	_ = 	snop  }
0x114: {  	[hbm4b:s4+s3] =	stream.indirect_vreg.scatter [tilespmem:s28], [sflag:$0x2], $0x80, v3, vm0, $0xb8;
	[tilespmem:$0x10380] =	vst v63  }
0x115: {  	v3 =	vld [tilespmem:$0x2A0];
	_ =	sdelay $0x4  }
0x116: {  	v58 =	vshll.u32 v3, $0x2  }
0x117: {  	v3 =	vand.u32 $0x7, v3;
	v4 =	vand.u32 $0xFFFFFFE0, v58  }
0x118: {  	v3 =	vor.u32 v3, v4  }
0x119: {  	v4 =	vperm.xlane v3, v0;
	_ =	sdelay $0x1  }
0x11a: {  	v4 =	vadd.s32 v1, v4;
	_ =	sdelay $0x1  }
0x11b: {  	v3 =	vperm.xlane v3, v2;
	_ =	sdelay $0x1  }
0x11c: {  	v3 =	vadd.s32 v1, v3  }
0x11d: {  	[hbm4b:s2+s3] =	stream.indirect_vreg.scatter [tilespmem:s29], [sflag:$0x2], $0x80, v4, vm0, $0xb8;
	[tilespmem:$0x10380] =	vst v63  }
0x11e: {  	_ = 	snop  }
0x11f: {  	[hbm4b:s4+s3] =	stream.indirect_vreg.scatter [tilespmem:s30], [sflag:$0x2], $0x80, v4, vm0, $0xb8;
	[tilespmem:$0x10380] =	vst v63  }
0x120: {  	_ = 	snop  }
0x121: {  	[hbm4b:s2+s3] =	stream.indirect_vreg.scatter [tilespmem:s31], [sflag:$0x2], $0x80, v3, vm0, $0xb8;
	[tilespmem:$0x10380] =	vst v63  }
0x122: {  	_ = 	snop  }
0x123: {  	[hbm4b:s4+s3] =	stream.indirect_vreg.scatter [tilespmem:s6], [sflag:$0x2], $0x80, v3, vm0, $0xb8;
	[tilespmem:$0x10380] =	vst v63  }
0x124: {  	v3 =	vld [tilespmem:$0x2B0];
	_ =	sdelay $0x4  }
0x125: {  	v59 =	vshll.u32 v3, $0x2  }
0x126: {  	v3 =	vand.u32 $0x7, v3;
	v4 =	vand.u32 $0xFFFFFFE0, v59  }
0x127: {  	v3 =	vor.u32 v3, v4  }
0x128: {  	v4 =	vperm.xlane v3, v0;
	_ =	sdelay $0x1  }
0x129: {  	v4 =	vadd.s32 v1, v4;
	_ =	sdelay $0x1  }
0x12a: {  	v3 =	vperm.xlane v3, v2;
	_ =	sdelay $0x1  }
0x12b: {  	v3 =	vadd.s32 v1, v3  }
0x12c: {  	[hbm4b:s2+s3] =	stream.indirect_vreg.scatter [tilespmem:s1], [sflag:$0x2], $0x80, v4, vm0, $0xb8;
	[tilespmem:$0x10380] =	vst v63  }
0x12d: {  	_ = 	snop  }
0x12e: {  	[hbm4b:s4+s3] =	stream.indirect_vreg.scatter [tilespmem:s10], [sflag:$0x2], $0x80, v4, vm0, $0xb8;
	[tilespmem:$0x10380] =	vst v63  }
0x12f: {  	_ = 	snop  }
0x130: {  	[hbm4b:s2+s3] =	stream.indirect_vreg.scatter [tilespmem:s11], [sflag:$0x2], $0x80, v3, vm0, $0xb8;
	[tilespmem:$0x10380] =	vst v63  }
0x131: {  	_ = 	snop  }
0x132: {  	[hbm4b:s4+s3] =	stream.indirect_vreg.scatter [tilespmem:s12], [sflag:$0x2], $0x80, v3, vm0, $0xb8;
	[tilespmem:$0x10380] =	vst v63  }
0x133: {  	_ =	swait.ge [sflag:s18], $0x8000  }
0x134: {  	[sflag:s18] =	ssyncset.done $0x0  }
0x135: {  	s20 =	rddreg [dreg:$0x8];
	[sflag:s18] =	ssyncadd.s32 $0xFFFF8000  }
0x136: {  	[tilespmem:s0], [sflag:$0x1] =	stream.linear.gather [hbm4b:s20+s3], $0x8000, $0x38;
	[tilespmem:$0x10380] =	vst v63  }
0x137: {  	_ =	swait.ge [sflag:s9], $0x8000  }
0x138: {  	[sflag:s9] =	ssyncset.done $0x0  }
0x139: {  	[sflag:s9] =	ssyncadd.s32 $0xFFFF8000  }
0x13a: {  	v3 =	vld [tilespmem:$0x300];
	_ =	sdelay $0x4  }
0x13b: {  	v60 =	vshll.u32 v3, $0x2  }
0x13c: {  	v3 =	vand.u32 $0x7, v3;
	v4 =	vand.u32 $0xFFFFFFE0, v60  }
0x13d: {  	v3 =	vor.u32 v3, v4  }
0x13e: {  	v4 =	vperm.xlane v3, v0;
	_ =	sdelay $0x1  }
0x13f: {  	v4 =	vadd.s32 v1, v4;
	_ =	sdelay $0x1  }
0x140: {  	v3 =	vperm.xlane v3, v2;
	_ =	sdelay $0x1  }
0x141: {  	v3 =	vadd.s32 v1, v3  }
0x142: {  	[hbm4b:s2+s3] =	stream.indirect_vreg.scatter [tilespmem:s0], [sflag:$0x2], $0x80, v4, vm0, $0xb8;
	[tilespmem:$0x10380] =	vst v63  }
0x143: {  	s8 =	simm.s32 $0x8B80  }
0x144: {  	[hbm4b:s4+s3] =	stream.indirect_vreg.scatter [tilespmem:s8], [sflag:$0x2], $0x80, v4, vm0, $0xb8;
	[tilespmem:$0x10380] =	vst v63  }
0x145: {  	_ = 	snop  }
0x146: {  	[hbm4b:s2+s3] =	stream.indirect_vreg.scatter [tilespmem:s14], [sflag:$0x2], $0x80, v3, vm0, $0xb8;
	[tilespmem:$0x10380] =	vst v63  }
0x147: {  	_ = 	snop  }
0x148: {  	[hbm4b:s4+s3] =	stream.indirect_vreg.scatter [tilespmem:s15], [sflag:$0x2], $0x80, v3, vm0, $0xb8;
	[tilespmem:$0x10380] =	vst v63  }
0x149: {  	v3 =	vld [tilespmem:$0x310];
	_ =	sdelay $0x4  }
0x14a: {  	v61 =	vshll.u32 v3, $0x2  }
0x14b: {  	v3 =	vand.u32 $0x7, v3;
	v4 =	vand.u32 $0xFFFFFFE0, v61  }
0x14c: {  	v3 =	vor.u32 v3, v4  }
0x14d: {  	v4 =	vperm.xlane v3, v0;
	_ =	sdelay $0x1  }
0x14e: {  	v4 =	vadd.s32 v1, v4;
	_ =	sdelay $0x1  }
0x14f: {  	v3 =	vperm.xlane v3, v2;
	_ =	sdelay $0x1  }
0x150: {  	v3 =	vadd.s32 v1, v3  }
0x151: {  	[hbm4b:s2+s3] =	stream.indirect_vreg.scatter [tilespmem:s16], [sflag:$0x2], $0x80, v4, vm0, $0xb8;
	[tilespmem:$0x10380] =	vst v63  }
0x152: {  	_ = 	snop  }
0x153: {  	[hbm4b:s4+s3] =	stream.indirect_vreg.scatter [tilespmem:s17], [sflag:$0x2], $0x80, v4, vm0, $0xb8;
	[tilespmem:$0x10380] =	vst v63  }
0x154: {  	_ = 	snop  }
0x155: {  	[hbm4b:s2+s3] =	stream.indirect_vreg.scatter [tilespmem:s25], [sflag:$0x2], $0x80, v3, vm0, $0xb8;
	[tilespmem:$0x10380] =	vst v63  }
0x156: {  	s19 =	simm.s32 $0xBB80  }
0x157: {  	[hbm4b:s4+s3] =	stream.indirect_vreg.scatter [tilespmem:s19], [sflag:$0x2], $0x80, v3, vm0, $0xb8;
	[tilespmem:$0x10380] =	vst v63  }
0x158: {  	v3 =	vld [tilespmem:$0x320];
	_ =	sdelay $0x4  }
0x159: {  	v62 =	vshll.u32 v3, $0x2  }
0x15a: {  	v3 =	vand.u32 $0x7, v3;
	v4 =	vand.u32 $0xFFFFFFE0, v62  }
0x15b: {  	v3 =	vor.u32 v3, v4  }
0x15c: {  	v4 =	vperm.xlane v3, v0;
	_ =	sdelay $0x1  }
0x15d: {  	v4 =	vadd.s32 v1, v4;
	_ =	sdelay $0x1  }
0x15e: {  	v3 =	vperm.xlane v3, v2;
	_ =	sdelay $0x1  }
0x15f: {  	s20 =	simm.s32 $0xC380;
	v3 =	vadd.s32 v1, v3  }
0x160: {  	[hbm4b:s2+s3] =	stream.indirect_vreg.scatter [tilespmem:s20], [sflag:$0x2], $0x80, v4, vm0, $0xb8;
	[tilespmem:$0x10380] =	vst v63  }
0x161: {  	s8 =	simm.s32 $0xCB80  }
0x162: {  	[hbm4b:s4+s3] =	stream.indirect_vreg.scatter [tilespmem:s8], [sflag:$0x2], $0x80, v4, vm0, $0xb8;
	[tilespmem:$0x10380] =	vst v63  }
0x163: {  	s19 =	simm.s32 $0xD380  }
0x164: {  	[hbm4b:s2+s3] =	stream.indirect_vreg.scatter [tilespmem:s19], [sflag:$0x2], $0x80, v3, vm0, $0xb8;
	[tilespmem:$0x10380] =	vst v63  }
0x165: {  	s20 =	simm.s32 $0xDB80  }
0x166: {  	[hbm4b:s4+s3] =	stream.indirect_vreg.scatter [tilespmem:s20], [sflag:$0x2], $0x80, v3, vm0, $0xb8;
	[tilespmem:$0x10380] =	vst v63  }
0x167: {  	v3 =	vld [tilespmem:$0x330];
	_ =	sdelay $0x4  }
0x168: {  	v63 =	vshll.u32 v3, $0x2  }
0x169: {  	v3 =	vand.u32 $0x7, v3;
	v4 =	vand.u32 $0xFFFFFFE0, v63  }
0x16a: {  	v3 =	vor.u32 v3, v4  }
0x16b: {  	v4 =	vperm.xlane v3, v0;
	_ =	sdelay $0x1  }
0x16c: {  	v4 =	vadd.s32 v1, v4;
	_ =	sdelay $0x1  }
0x16d: {  	v3 =	vperm.xlane v3, v2;
	_ =	sdelay $0x1  }
0x16e: {  	s8 =	simm.s32 $0xE380;
	v3 =	vadd.s32 v1, v3  }
0x16f: {  	[hbm4b:s2+s3] =	stream.indirect_vreg.scatter [tilespmem:s8], [sflag:$0x2], $0x80, v4, vm0, $0xb8;
	[tilespmem:$0x10380] =	vst v63  }
0x170: {  	s19 =	simm.s32 $0xEB80  }
0x171: {  	[hbm4b:s4+s3] =	stream.indirect_vreg.scatter [tilespmem:s19], [sflag:$0x2], $0x80, v4, vm0, $0xb8;
	[tilespmem:$0x10380] =	vst v63  }
0x172: {  	s20 =	simm.s32 $0xF380  }
0x173: {  	[hbm4b:s2+s3] =	stream.indirect_vreg.scatter [tilespmem:s20], [sflag:$0x2], $0x80, v3, vm0, $0xb8;
	[tilespmem:$0x10380] =	vst v63  }
0x174: {  	s8 =	simm.s32 $0xFB80;
	s19 =	rddreg [dreg:$0x9]  }
0x175: {  	[hbm4b:s4+s3] =	stream.indirect_vreg.scatter [tilespmem:s8], [sflag:$0x2], $0x80, v3, vm0, $0xb8;
	[tilespmem:$0x10380] =	vst v63  }
0x176: {  	s20 =	rddreg [dreg:$0xa]  }
0x177: {  	[hbm4b:s19+s3] =	stream.linear.scatter [tilespmem:s20], [sflag:$0x3], $0x200, $0x38;
	[tilespmem:$0x10380] =	vst v63  }
0x178: {  	_ =	swait.ge [sflag:s13], $0x200  }
0x179: {  	[sflag:s13] =	ssyncset.done $0x0  }
0x17a: {  	[sflag:s13] =	ssyncadd.s32 $0xFFFFFE00  }
0x17b: {  	p0 =	sne.s32 s5, $0x1;
	_ =	swait.ge [sflag:s18], $0x8000  }
.Ltmp0:
0x17c: {  	[sflag:s18] =	ssyncset.done $0x0;
	(pc) =	sbr.rel @p0 .LBB2_1-.Ltmp0, $4  }
0x17d: {  	[sflag:s18] =	ssyncadd.s32 $0xFFFF8000  }
0x17e: {  	_ =	swait.ge [sflag:s18], $0x8000  }
0x17f: {  	[sflag:s18] =	ssyncset.done $0x0  }
0x180: {  	s5 =	sadd.s32 $0xFFFFFFFF, s5;
	[sflag:s18] =	ssyncadd.s32 $0xFFFF8000  }
0x181: {  	_ =	sfence.sel $0x180000  }
0x182: {  	[bflag:$0x0] =	sbarrier.arrive $0xFFFF  }
0x183: {  	_ =	strace $0x90000047  }
0x184: {  	s0 =	stileid.u32;
	[bflag:$0x2] =	sbarrier.arrive $0xFFFF  }
0x185: {  	p0 =	sne.s32 s0, $0x0;
	s0 =	rddreg [dreg:$0x2]  }
0x186: {  	s0 =	sadd.s32 @!p0 $0x100000, s0  }
0x187: {  	[sflag:s0] =	ssyncadd.tile.s32 @!p0 $0x1;
	_ =	shalt  }
.Lfunc_end2:
_tile_overlayer_lowered:
.L_overlay_start_2:
0x188: {  	(tag) =	ssettag $0x2  }
0x189: {  	s0 =	rddreg [dreg:$0x0];
	s2 =	stileid.u32  }
0x18a: {  	s1 =	rddreg [dreg:$0x1];
	p0 =	sne.s32 s2, $0x0  }
0x18b: {  	s3 =	rddreg [dreg:$0x2];
	[bflag:$0x3] =	sbarrier.arrive $0xFFFF;
	s2 =	simm.s32 @!p0 $0x1C03  }
0x18c: {  	[timem:s3], [sflag:s2] =	dma.local @!p0 [hbm:s0], s1  }
0x18d: {  	s0 =	simm.s32 @!p0 $0x3  }
0x18e: {  	_ =	swait.ge @!p0 [sflag:s0], s1  }
0x18f: {  	s1 =	ssub.s32 @!p0 $0x0, s1;
	[sflag:s0] =	ssyncset.done @!p0 $0x0  }
0x190: {  	[sflag:s0] =	ssyncadd.s32 @!p0 s1  }
0x191: {  	[bflag:$0x3] =	sbarrier.arrive $0xFFFF  }
0x192: {  	_ =	shalt  }

// kernel: kernel.9.cloned.1.call-start
scs
__scs_entry_jumppad:
0x0: {  	(pc) =	sbr.rel $0x88, $3  }
0x1: {  	(tag) =	ssettag $0x0;
	lr =	simm.s32 $0x1  }
0x2: {  	[smem:$0x3F9A] =	sst lr;
	_ =	strace $0xD0000000  }
0x3: {  	_ = 	snop  }
0x4: {  	_ = 	snop  }
0x5: {  	_ = 	snop  }
0x6: {  	_ = 	snop  }
0x7: {  	_ = 	snop  }
__scs_overlays_trampoline_lowered:
0x8: {  	[smem:$0x3FA9] =	sst s0  }
0x9: {  	[smem:$0x3FAA] =	sst s1  }
0xa: {  	[smem:$0x3FAB] =	sst s2  }
0xb: {  	[smem:$0x3FAC] =	sst s3  }
0xc: {  	[smem:$0x3FAD] =	sst s4  }
0xd: {  	[smem:$0x3FAE] =	sst s5  }
0xe: {  	[smem:$0x3FAF] =	sst s6  }
0xf: {  	[smem:$0x3FB0] =	sst s7  }
0x10: {  	[smem:$0x3FB1] =	sst s8  }
0x11: {  	[smem:$0x3FB2] =	sst s9;
	s0 =	simm.s32 @!p0 $0x0  }
0x12: {  	s1 =	sld [smem:$0x3F98];
	s0 =	simm.s32 @p0 $0x1  }
0x13: {  	[smem:$0x3FB3] =	sst s0;
	s0 =	simm.s32 @!p1 $0x0  }
0x14: {  	s2 =	sld [smem:$0x3F97];
	s0 =	simm.s32 @p1 $0x1  }
0x15: {  	[smem:$0x3FB4] =	sst s0;
	s0 =	simm.s32 @!p2 $0x0  }
0x16: {  	s3 =	sld [smem:$0x3FDB];
	s0 =	simm.s32 @p2 $0x1  }
0x17: {  	s4 =	simm.s32 $0x1BF5;
	[smem:$0x3FB6] =	sst s0  }
0x18: {  	s0 =	sld [smem:$0x3F99];
	_ =	swait.ge [sflag:s4], $0x0  }
0x19: {  	s7 =	sld [smem:$0x3F9A]  }
0x1a: {  	s8 =	sadd.s32 $0xFFFFE003, lr  }
0x1b: {  	s9 =	sadd.s32 $0xFFFFFEF7, lr;
	s5 =	simm.s32 $0xFFFFFFFF;
	p2 =	slt.u32 s8, $0xFFFFF086  }
0x1c: {  	p1 =	slt.u32 s9, $0xF7A;
	s5 =	simm.s32 @!p2 $0x0  }
0x1d: {  	s5 =	simm.s32 @p1 $0x1;
	p0 =	seq.s32 s7, s2  }
0x1e: {  	s7 =	smul.u32 @!p0 $0xF7A, s2;
	p2 =	seq.s32 @!p0 s5, $0x0  }
0x1f: {  	s9 =	smul.u32 $0xF7A, s1;
	s8 =	simm.s32 @!p0 $0x1BF5;
	p2 =	por !p2, p0  }
0x20: {  	[sflag:s8] =	ssyncset.s32 @!p0 $0xFFFFF086;
	s6 =	sadd.s32 @!p0 s3, s7;
	s7 =	simm.s32 @!p0 $0x108  }
0x21: {  	s3 =	sadd.s32 s3, s9;
	s6 =	sadd.s32 @!p0 $0x88, s6;
	s7 =	simm.s32 @p2 $0x1082  }
0x22: {  	[simem:s7], [sflag:s8] =	dma.local @!p0 [hbm:s6], $0xF7A  }
0x23: {  	s9 =	sor.u32 $0xD0000000, s2;
	s6 =	simm.s32 $0x108;
	_ =	swait.ge @!p0 [sflag:s8], $0x0  }
0x24: {  	s3 =	sadd.s32 $0x88, s3;
	s6 =	simm.s32 @!p1 $0x1082;
	[sflag:s4] =	ssyncset.s32 $0xFFFFF086  }
0x25: {  	[simem:s6], [sflag:s4] =	dma.local [hbm:s3], $0xF7A  }
0x26: {  	[smem:$0x3F9A] =	sst s1;
	(tag) =	ssettag s2;
	_ =	strace s9  }
0x27: {  	s1 =	sld [smem:$0x3FAA]  }
0x28: {  	s2 =	sld [smem:$0x3FAB]  }
0x29: {  	s4 =	sld [smem:$0x3FAD]  }
0x2a: {  	p0 =	seq.s32 s5, $0x0;
	s5 =	sld [smem:$0x3FAE]  }
0x2b: {  	s6 =	sld [smem:$0x3FAF]  }
0x2c: {  	s7 =	sld [smem:$0x3FB0]  }
0x2d: {  	s3 =	simm.s32 $0x108;
	s8 =	sld [smem:$0x3FB1]  }
0x2e: {  	s3 =	simm.s32 @!p0 $0x1082;
	s9 =	sld [smem:$0x3FB2]  }
0x2f: {  	lr =	sadd.s32 s0, s3;
	s0 =	sld [smem:$0x3FA9]  }
0x30: {  	s3 =	sld [smem:$0x3FAC]  }
0x31: {  	[smem:$0x3FB5] =	sst s10  }
0x32: {  	s10 =	sld [smem:$0x3FB3];
	_ =	sdelay $0x3  }
0x33: {  	p0 =	seq.s32 s10, $0x1;
	s10 =	sld [smem:$0x3FB5];
	_ =	sdelay $0x3  }
0x34: {  	[smem:$0x3FB5] =	sst s10  }
0x35: {  	s10 =	sld [smem:$0x3FB4];
	_ =	sdelay $0x3  }
0x36: {  	p1 =	seq.s32 s10, $0x1;
	s10 =	sld [smem:$0x3FB5];
	_ =	sdelay $0x3  }
0x37: {  	[smem:$0x3FB5] =	sst s10  }
0x38: {  	s10 =	sld [smem:$0x3FB6]  }
0x39: {  	_ = 	snop;
	(pc) =	sbr.ind lr, $3  }
0x3a: {  	_ = 	snop  }
0x3b: {  	_ = 	snop  }
0x3c: {  	p2 =	seq.s32 s10, $0x1;
	s10 =	sld [smem:$0x3FB5]  }
0x3d: {  	_ =	shalt  }
0x3e: {  	_ =	shalt  }
0x3f: {  	_ =	shalt  }
0x40: {  	_ =	shalt  }
0x41: {  	_ =	shalt  }
0x42: {  	_ =	shalt  }
0x43: {  	_ =	shalt  }
0x44: {  	_ =	shalt  }
0x45: {  	_ =	shalt  }
0x46: {  	_ =	shalt  }
0x47: {  	_ =	shalt  }
0x48: {  	_ =	shalt  }
0x49: {  	_ =	shalt  }
0x4a: {  	_ =	shalt  }
0x4b: {  	_ =	shalt  }
0x4c: {  	_ =	shalt  }
0x4d: {  	_ =	shalt  }
0x4e: {  	_ =	shalt  }
0x4f: {  	_ =	shalt  }
0x50: {  	_ =	shalt  }
0x51: {  	_ =	shalt  }
0x52: {  	_ =	shalt  }
0x53: {  	_ =	shalt  }
0x54: {  	_ =	shalt  }
0x55: {  	_ =	shalt  }
0x56: {  	_ =	shalt  }
0x57: {  	_ =	shalt  }
0x58: {  	_ =	shalt  }
0x59: {  	_ =	shalt  }
0x5a: {  	_ =	shalt  }
0x5b: {  	_ =	shalt  }
0x5c: {  	_ =	shalt  }
0x5d: {  	_ =	shalt  }
0x5e: {  	_ =	shalt  }
0x5f: {  	_ =	shalt  }
0x60: {  	_ =	shalt  }
0x61: {  	_ =	shalt  }
0x62: {  	_ =	shalt  }
0x63: {  	_ =	shalt  }
0x64: {  	_ =	shalt  }
0x65: {  	_ =	shalt  }
0x66: {  	_ =	shalt  }
0x67: {  	_ =	shalt  }
0x68: {  	_ =	shalt  }
0x69: {  	_ =	shalt  }
0x6a: {  	_ =	shalt  }
0x6b: {  	_ =	shalt  }
0x6c: {  	_ =	shalt  }
0x6d: {  	_ =	shalt  }
0x6e: {  	_ =	shalt  }
0x6f: {  	_ =	shalt  }
0x70: {  	_ =	shalt  }
0x71: {  	_ =	shalt  }
0x72: {  	_ =	shalt  }
0x73: {  	_ =	shalt  }
0x74: {  	_ =	shalt  }
0x75: {  	_ =	shalt  }
0x76: {  	_ =	shalt  }
0x77: {  	_ =	shalt  }
0x78: {  	_ =	shalt  }
0x79: {  	_ =	shalt  }
0x7a: {  	_ =	shalt  }
0x7b: {  	_ =	shalt  }
0x7c: {  	_ =	shalt  }
0x7d: {  	_ =	shalt  }
0x7e: {  	_ =	shalt  }
0x7f: {  	_ =	shalt  }
0x80: {  	_ =	shalt  }
0x81: {  	_ =	shalt  }
0x82: {  	_ =	shalt  }
0x83: {  	_ =	shalt  }
0x84: {  	_ =	shalt  }
0x85: {  	_ =	shalt  }
0x86: {  	_ =	shalt  }
0x87: {  	_ =	shalt  }
.Lfunc_end0:
.L_simem_size_0:
called_computation.1_lowered:
.L_overlay_start_0:
0x88: {  	s2 =	sld [smem:$0x3FD9]  }
0x89: {  	s3 =	sld [smem:$0x3FFE];
	_ =	sdelay $0x1  }
0x8a: {  	s1 =	srdreg.scid  }
0x8b: {  	s0 =	sand.u32 $0x1, s1  }
0x8c: {  	s17 =	sshll.u32 s0, $0xA;
	s2 =	sadd.s32 s3, s2  }
0x8d: {  	s2 =	sadd.s32 s2, s17  }
0x8e: {  	[smem:$0x3FC1] =	sst s2  }
0x8f: {  	_ = 	snop  }
0x90: {  	s2 =	sld [smem:$0x3FD0];
	(tm) =	ssettm $0x1  }
0x91: {  	s18 =	sld [smem:$0x3FFB];
	_ =	sdelay $0x3  }
0x92: {  	_ =	strace s18  }
0x93: {  	s3 =	sld [smem:$0x3FFC];
	_ =	sdelay $0x3  }
0x94: {  	_ =	strace s3  }
0x95: {  	s3 =	sld [smem:$0x3FFD];
	_ =	sdelay $0x3  }
0x96: {  	_ =	strace s3  }
0x97: {  	_ =	strace $0x8FFFFFFF  }
0x98: {  	s19 =	sld [smem:$0x3FDB];
	_ =	sdelay $0x1  }
0x99: {  	s4 =	simm.s32 $_scs_section_size  }
0x9a: {  	s5 =	simm.s32 $_size__tile_overlayer_lowered;
	s6 =	simm.s32 $_tile_overlayer_lowered  }
0x9b: {  	s22 =	simm.s32 $0x1BFF;
	s21 =	sshll.u32 s6, $0x1;
	s3 =	sadd.s32 s4, s19  }
0x9c: {  	s7 =	simm.s32 $0x0;
	s20 =	sshll.u32 s5, $0x1;
	s5 =	sadd.s32 s21, s3  }
0x9d: {  	[timem:s7], [sflag:s22] =	dma.local [hbm:s5], s20  }
0x9e: {  	_ =	swait.ge [sflag:s22], s20  }
0x9f: {  	s4 =	ssub.s32 $0x0, s20;
	[sflag:s22] =	ssyncset.done $0x0  }
0xa0: {  	[sflag:s22] =	ssyncadd.s32 s4;
	_ =	sdelay $0x1  }
0xa1: {  	s23 =	simm.s32 $0x1B8B  }
0xa2: {  	_ =	swait.ge [sflag:s23], $0x1  }
0xa3: {  	[sflag:s23] =	ssyncset.done $0x0  }
0xa4: {  	s25 =	simm.s32 $0x1B8E;
	s24 =	sld [smem:$0x3FFE];
	[sflag:s23] =	ssyncadd.s32 $0xFFFFFFFF  }
0xa5: {  	s26 =	simm.s32 $execute0_lowered;
	[smem:$0x3FD2] =	sst s25  }
0xa6: {  	s5 =	sshll.u32 s26, $0x1;
	_ =	strace $0x80000049;
	[dreg:$0x1] =	wrdreg $0xFFFFFFFF  }
0xa7: {  	s28 =	simm.s32 $_size_execute0_lowered;
	s3 =	sadd.s32 s3, s5;
	[dreg:$0x0] =	wrdreg $0x0  }
0xa8: {  	s5 =	sshll.u32 s28, $0x1;
	[dreg:$0x2] =	wrdreg s3  }
0xa9: {  	[dreg:$0x3] =	wrdreg s5  }
0xaa: {  	[dreg:$0x4] =	wrdreg $0xC0  }
0xab: {  	_ =	task [dreg:s7], $0x5FFFF  }
0xac: {  	[dreg:$0x1] =	wrdreg $0xFFFFFFFF  }
0xad: {  	[dreg:$0x0] =	wrdreg $0x60  }
0xae: {  	[dreg:$0x2] =	wrdreg s24  }
0xaf: {  	[dreg:$0x3] =	wrdreg s2  }
0xb0: {  	[dreg:$0x4] =	wrdreg $0x9  }
0xb1: {  	_ =	task.clear_ibuf [dreg:s7], $0x5FFFF;
	_ =	strace $0x90000049  }
0xb2: {  	s29 =	simm.s32 $0x9;
	_ =	strace $0x8000004B  }
0xb3: {  	_ =	swait.ge [sflag:s29], $0x1  }
0xb4: {  	[sflag:s29] =	ssyncadd.s32 $0xFFFFFFFF  }
0xb5: {  	_ =	strace $0x9000004B  }
0xb6: {  	_ =	sfence  }
0xb7: {  	s30 =	sld [smem:$0x0];
	_ =	sdelay $0x2  }
0xb8: {  	s31 =	sshll.u32 s1, $0xD;
	s1 =	sshrl.u32 s1, $0x2  }
0xb9: {  	s3 =	sand.u32 $0x4000, s31;
	s1 =	sadd.s32 s1, s30  }
0xba: {  	s0 =	sor.u32 s3, s0;
	s1 =	sshll.u32 s1, $0x11  }
0xbb: {  	s0 =	sor.u32 s1, s0  }
0xbc: {  	s0 =	sadd.s32 $0x8F2B, s0  }
0xbd: {  	[sflag:s0] =	ssyncadd.remote.s32 $0x1  }
0xbe: {  	_ =	sfence.sel $0xFFFF  }
0xbf: {  	[dreg:$0x0] =	wrdreg $0xFFFFFFFF;
	(pc) =	sbr.abs _section_cstart, $3  }
0xc0: {  	[dreg:$0x1] =	wrdreg $0xFFFFFFFF  }
0xc1: {  	_ =	task.clear_ibuf [dreg:s7], $0x2FFFF;
	_ =	strace $0x9FFFFFFF  }
0xc2: {  	(tm) =	ssettm $0x7FFFFFFF  }
0xc3: {  	_ =	shalt  }
tec
execute0_lowered:
.L_overlay_start_1:
0x0: {  	(tag) =	ssettag $0x1  }
0x1: {  	s0 =	srdreg.scid;
	s1 =	rddreg [dreg:$0x0]  }
0x2: {  	s2 =	stileid.u32;
	s3 =	rddreg [dreg:$0x1]  }
0x3: {  	s28 =	simm.s32 $0x8200;
	s0 =	sand.u32 $0x1, s0;
	s2 =	sshll.u32 s2, $0x1  }
0x4: {  	s19 =	simm.s32 $0x2;
	s7 =	sadd.s32 $0x82D00, s1;
	s4 =	sor.u32 s0, s2  }
0x5: {  	s2 =	simm.s32 $0x0;
	s5 =	sshll.u32 s4, $0x6;
	s4 =	sshll.u32 s4, $0xF  }
0x6: {  	[smem:$0x7FF] =	sst s2;
	s5 =	sadd.s32 s5, s1;
	s6 =	sadd.s32 s3, s4  }
0x7: {  	_ =	strace $0x8000004A;
	s5 =	sadd.s32 $0x82200, s5;
	[dreg:$0xb] =	wrdreg s6  }
0x8: {  	s0 =	ssub.s32 $0x2, s0;
	s3 =	sadd.s32 $0x1000, s6;
	[dreg:$0x3] =	wrdreg s5  }
0x9: {  	s26 =	sshrl.u32 s0, $0x1;
	s23 =	sadd.s32 $0x2000, s6;
	[dreg:$0x4] =	wrdreg s3  }
0xa: {  	s4 =	sadd.s32 $0x82A00, s1;
	s24 =	sadd.s32 $0x3000, s6;
	[dreg:$0x5] =	wrdreg s23  }
0xb: {  	s0 =	ssub.s32 s0, s26;
	s25 =	sadd.s32 $0x4000, s6;
	[dreg:$0x6] =	wrdreg s24  }
0xc: {  	s26 =	simm.s32 $0x1;
	s29 =	sadd.s32 $0x5000, s6;
	[dreg:$0x7] =	wrdreg s25  }
0xd: {  	v2 =	vlaneseq.u32;
	s30 =	sadd.s32 $0x6000, s6;
	s31 =	sadd.s32 $0x7000, s6;
	[dreg:$0x8] =	wrdreg s29  }
0xe: {  	vm0 =	vmmov $0xffff;
	v1 =	vshrl.u32 v2, $0x3;
	s6 =	sadd.s32 $0x82C00, s1;
	s8 =	smax.u32 s0, $0x1;
	[dreg:$0x9] =	wrdreg s30  }
0xf: {  	v0 =	vand.u32 $0x7, v2;
	v2 =	vor.u32 $0x8, v2;
	v1 =	vmul.u32 $0x8, v1;
	s5 =	sadd.s32 $0x82B00, s1;
	[dreg:$0xa] =	wrdreg s31;
	s24 =	simm.s32 $0x200  }
.LBB2_1:
0x10: {  	s20 =	rddreg [dreg:$0x3];
	s1 =	simm.s32 $0x3  }
0x11: {  	[tilespmem:s2], [sflag:$0x3] =	stream.linear.gather [hbm4b:s20+s2], $0x200, $0x38;
	[tilespmem:$0x10200] =	vst v63  }
0x12: {  	_ =	swait.ge [sflag:s1], $0x200  }
0x13: {  	[sflag:s1] =	ssyncset.done $0x0  }
0x14: {  	[sflag:s1] =	ssyncadd.s32 $0xFFFFFE00  }
0x15: {  	v3 =	vld [tilespmem:$0x0];
	_ =	sdelay $0x4  }
0x16: {  	v4 =	vshll.u32 v3, $0x3  }
0x17: {  	v3 =	vand.u32 $0x7, v3;
	v4 =	vand.u32 $0xFFFFFFC0, v4  }
0x18: {  	v3 =	vor.u32 v3, v4  }
0x19: {  	v4 =	vperm.xlane v3, v0;
	_ =	sdelay $0x1  }
0x1a: {  	v4 =	vadd.s32 v1, v4;
	_ =	sdelay $0x4  }
0x1b: {  	[tilespmem:s24], [sflag:$0x1] =	stream.indirect_vreg.gather [hbm4b:s4+s2], $0x80, v4, vm0, $0xb8;
	[tilespmem:$0x10200] =	vst v63  }
0x1c: {  	s0 =	simm.s32 $0xA00;
	v3 =	vperm.xlane v3, v2  }
0x1d: {  	[tilespmem:s0], [sflag:$0x1] =	stream.indirect_vreg.gather [hbm4b:s5+s2], $0x80, v4, vm0, $0xb8;
	[tilespmem:$0x10200] =	vst v63  }
0x1e: {  	s3 =	simm.s32 $0x1200;
	v3 =	vadd.s32 v1, v3  }
0x1f: {  	[tilespmem:s3], [sflag:$0x1] =	stream.indirect_vreg.gather [hbm4b:s6+s2], $0x80, v4, vm0, $0xb8;
	[tilespmem:$0x10200] =	vst v63  }
0x20: {  	s9 =	simm.s32 $0x1A00  }
0x21: {  	[tilespmem:s9], [sflag:$0x1] =	stream.indirect_vreg.gather [hbm4b:s7+s2], $0x80, v4, vm0, $0xb8;
	[tilespmem:$0x10200] =	vst v63  }
0x22: {  	s10 =	simm.s32 $0x2200  }
0x23: {  	[tilespmem:s10], [sflag:$0x1] =	stream.indirect_vreg.gather [hbm4b:s4+s2], $0x80, v3, vm0, $0xb8;
	[tilespmem:$0x10200] =	vst v63  }
0x24: {  	s11 =	simm.s32 $0x2A00  }
0x25: {  	[tilespmem:s11], [sflag:$0x1] =	stream.indirect_vreg.gather [hbm4b:s5+s2], $0x80, v3, vm0, $0xb8;
	[tilespmem:$0x10200] =	vst v63  }
0x26: {  	s12 =	simm.s32 $0x3200  }
0x27: {  	[tilespmem:s12], [sflag:$0x1] =	stream.indirect_vreg.gather [hbm4b:s6+s2], $0x80, v3, vm0, $0xb8;
	[tilespmem:$0x10200] =	vst v63  }
0x28: {  	s14 =	simm.s32 $0x3A00  }
0x29: {  	[tilespmem:s14], [sflag:$0x1] =	stream.indirect_vreg.gather [hbm4b:s7+s2], $0x80, v3, vm0, $0xb8;
	[tilespmem:$0x10200] =	vst v63  }
0x2a: {  	v3 =	vld [tilespmem:$0x10];
	_ =	sdelay $0x4  }
0x2b: {  	v49 =	vshll.u32 v3, $0x3  }
0x2c: {  	v3 =	vand.u32 $0x7, v3;
	v4 =	vand.u32 $0xFFFFFFC0, v49  }
0x2d: {  	v3 =	vor.u32 v3, v4  }
0x2e: {  	v4 =	vperm.xlane v3, v0;
	_ =	sdelay $0x1  }
0x2f: {  	v4 =	vadd.s32 v1, v4;
	_ =	sdelay $0x3  }
0x30: {  	s15 =	simm.s32 $0x4200  }
0x31: {  	[tilespmem:s15], [sflag:$0x1] =	stream.indirect_vreg.gather [hbm4b:s4+s2], $0x80, v4, vm0, $0xb8;
	[tilespmem:$0x10200] =	vst v63  }
0x32: {  	s16 =	simm.s32 $0x4A00;
	v3 =	vperm.xlane v3, v2  }
0x33: {  	[tilespmem:s16], [sflag:$0x1] =	stream.indirect_vreg.gather [hbm4b:s5+s2], $0x80, v4, vm0, $0xb8;
	[tilespmem:$0x10200] =	vst v63  }
0x34: {  	s17 =	simm.s32 $0x5200;
	v3 =	vadd.s32 v1, v3  }
0x35: {  	[tilespmem:s17], [sflag:$0x1] =	stream.indirect_vreg.gather [hbm4b:s6+s2], $0x80, v4, vm0, $0xb8;
	[tilespmem:$0x10200] =	vst v63  }
0x36: {  	s18 =	simm.s32 $0x5A00  }
0x37: {  	[tilespmem:s18], [sflag:$0x1] =	stream.indirect_vreg.gather [hbm4b:s7+s2], $0x80, v4, vm0, $0xb8;
	[tilespmem:$0x10200] =	vst v63  }
0x38: {  	s20 =	simm.s32 $0x6200  }
0x39: {  	[tilespmem:s20], [sflag:$0x1] =	stream.indirect_vreg.gather [hbm4b:s4+s2], $0x80, v3, vm0, $0xb8;
	[tilespmem:$0x10200] =	vst v63  }
0x3a: {  	s21 =	simm.s32 $0x6A00  }
0x3b: {  	[tilespmem:s21], [sflag:$0x1] =	stream.indirect_vreg.gather [hbm4b:s5+s2], $0x80, v3, vm0, $0xb8;
	[tilespmem:$0x10200] =	vst v63  }
0x3c: {  	s22 =	simm.s32 $0x7200  }
0x3d: {  	[tilespmem:s22], [sflag:$0x1] =	stream.indirect_vreg.gather [hbm4b:s6+s2], $0x80, v3, vm0, $0xb8;
	[tilespmem:$0x10200] =	vst v63  }
0x3e: {  	s23 =	simm.s32 $0x7A00  }
0x3f: {  	[tilespmem:s23], [sflag:$0x1] =	stream.indirect_vreg.gather [hbm4b:s7+s2], $0x80, v3, vm0, $0xb8;
	[tilespmem:$0x10200] =	vst v63  }
0x40: {  	_ =	swait.ge [sflag:s26], $0x8000  }
0x41: {  	[sflag:s26] =	ssyncset.done $0x0  }
0x42: {  	s25 =	rddreg [dreg:$0xb];
	[sflag:s26] =	ssyncadd.s32 $0xFFFF8000  }
0x43: {  	[hbm4b:s25+s2] =	stream.linear.scatter [tilespmem:s24], [sflag:$0x2], $0x8000, $0x38;
	[tilespmem:$0x10200] =	vst v63  }
0x44: {  	v3 =	vld [tilespmem:$0x20];
	_ =	sdelay $0x4  }
0x45: {  	v50 =	vshll.u32 v3, $0x3  }
0x46: {  	v3 =	vand.u32 $0x7, v3;
	v4 =	vand.u32 $0xFFFFFFC0, v50  }
0x47: {  	v3 =	vor.u32 v3, v4  }
0x48: {  	v4 =	vperm.xlane v3, v0;
	_ =	sdelay $0x1  }
0x49: {  	v4 =	vadd.s32 v1, v4;
	_ =	sdelay $0x4  }
0x4a: {  	[tilespmem:s28], [sflag:$0x1] =	stream.indirect_vreg.gather [hbm4b:s4+s2], $0x80, v4, vm0, $0xb8;
	[tilespmem:$0x10200] =	vst v63  }
0x4b: {  	s29 =	simm.s32 $0x8A00;
	v3 =	vperm.xlane v3, v2  }
0x4c: {  	[tilespmem:s29], [sflag:$0x1] =	stream.indirect_vreg.gather [hbm4b:s5+s2], $0x80, v4, vm0, $0xb8;
	[tilespmem:$0x10200] =	vst v63  }
0x4d: {  	s30 =	simm.s32 $0x9200;
	v3 =	vadd.s32 v1, v3  }
0x4e: {  	[tilespmem:s30], [sflag:$0x1] =	stream.indirect_vreg.gather [hbm4b:s6+s2], $0x80, v4, vm0, $0xb8;
	[tilespmem:$0x10200] =	vst v63  }
0x4f: {  	s31 =	simm.s32 $0x9A00  }
0x50: {  	[tilespmem:s31], [sflag:$0x1] =	stream.indirect_vreg.gather [hbm4b:s7+s2], $0x80, v4, vm0, $0xb8;
	[tilespmem:$0x10200] =	vst v63  }
0x51: {  	s16 =	simm.s32 $0xA200  }
0x52: {  	[tilespmem:s16], [sflag:$0x1] =	stream.indirect_vreg.gather [hbm4b:s4+s2], $0x80, v3, vm0, $0xb8;
	[tilespmem:$0x10200] =	vst v63  }
0x53: {  	s17 =	simm.s32 $0xAA00  }
0x54: {  	[tilespmem:s17], [sflag:$0x1] =	stream.indirect_vreg.gather [hbm4b:s5+s2], $0x80, v3, vm0, $0xb8;
	[tilespmem:$0x10200] =	vst v63  }
0x55: {  	s18 =	simm.s32 $0xB200  }
0x56: {  	[tilespmem:s18], [sflag:$0x1] =	stream.indirect_vreg.gather [hbm4b:s6+s2], $0x80, v3, vm0, $0xb8;
	[tilespmem:$0x10200] =	vst v63  }
0x57: {  	s21 =	simm.s32 $0xBA00  }
0x58: {  	[tilespmem:s21], [sflag:$0x1] =	stream.indirect_vreg.gather [hbm4b:s7+s2], $0x80, v3, vm0, $0xb8;
	[tilespmem:$0x10200] =	vst v63  }
0x59: {  	v3 =	vld [tilespmem:$0x30];
	_ =	sdelay $0x4  }
0x5a: {  	v51 =	vshll.u32 v3, $0x3  }
0x5b: {  	v3 =	vand.u32 $0x7, v3;
	v4 =	vand.u32 $0xFFFFFFC0, v51  }
0x5c: {  	v3 =	vor.u32 v3, v4  }
0x5d: {  	v4 =	vperm.xlane v3, v0;
	_ =	sdelay $0x1  }
0x5e: {  	v4 =	vadd.s32 v1, v4;
	_ =	sdelay $0x3  }
0x5f: {  	s23 =	simm.s32 $0xC200  }
0x60: {  	[tilespmem:s23], [sflag:$0x1] =	stream.indirect_vreg.gather [hbm4b:s4+s2], $0x80, v4, vm0, $0xb8;
	[tilespmem:$0x10200] =	vst v63  }
0x61: {  	s25 =	simm.s32 $0xCA00;
	v3 =	vperm.xlane v3, v2  }
0x62: {  	[tilespmem:s25], [sflag:$0x1] =	stream.indirect_vreg.gather [hbm4b:s5+s2], $0x80, v4, vm0, $0xb8;
	[tilespmem:$0x10200] =	vst v63  }
0x63: {  	s30 =	simm.s32 $0xD200;
	v3 =	vadd.s32 v1, v3  }
0x64: {  	[tilespmem:s30], [sflag:$0x1] =	stream.indirect_vreg.gather [hbm4b:s6+s2], $0x80, v4, vm0, $0xb8;
	[tilespmem:$0x10200] =	vst v63  }
0x65: {  	s31 =	simm.s32 $0xDA00  }
0x66: {  	[tilespmem:s31], [sflag:$0x1] =	stream.indirect_vreg.gather [hbm4b:s7+s2], $0x80, v4, vm0, $0xb8;
	[tilespmem:$0x10200] =	vst v63  }
0x67: {  	s0 =	simm.s32 $0xE200  }
0x68: {  	[tilespmem:s0], [sflag:$0x1] =	stream.indirect_vreg.gather [hbm4b:s4+s2], $0x80, v3, vm0, $0xb8;
	[tilespmem:$0x10200] =	vst v63  }
0x69: {  	s17 =	simm.s32 $0xEA00  }
0x6a: {  	[tilespmem:s17], [sflag:$0x1] =	stream.indirect_vreg.gather [hbm4b:s5+s2], $0x80, v3, vm0, $0xb8;
	[tilespmem:$0x10200] =	vst v63  }
0x6b: {  	s23 =	simm.s32 $0xF200  }
0x6c: {  	[tilespmem:s23], [sflag:$0x1] =	stream.indirect_vreg.gather [hbm4b:s6+s2], $0x80, v3, vm0, $0xb8;
	[tilespmem:$0x10200] =	vst v63  }
0x6d: {  	s30 =	simm.s32 $0xFA00  }
0x6e: {  	[tilespmem:s30], [sflag:$0x1] =	stream.indirect_vreg.gather [hbm4b:s7+s2], $0x80, v3, vm0, $0xb8;
	[tilespmem:$0x10200] =	vst v63  }
0x6f: {  	_ =	swait.ge [sflag:s26], $0x8000  }
0x70: {  	[sflag:s26] =	ssyncset.done $0x0  }
0x71: {  	s0 =	rddreg [dreg:$0x4];
	[sflag:s26] =	ssyncadd.s32 $0xFFFF8000  }
0x72: {  	[hbm4b:s0+s2] =	stream.linear.scatter [tilespmem:s28], [sflag:$0x2], $0x8000, $0x38;
	[tilespmem:$0x10200] =	vst v63  }
0x73: {  	_ =	swait.ge [sflag:s19], $0x8000  }
0x74: {  	[sflag:s19] =	ssyncset.done $0x0  }
0x75: {  	[sflag:s19] =	ssyncadd.s32 $0xFFFF8000  }
0x76: {  	v3 =	vld [tilespmem:$0x80];
	_ =	sdelay $0x4  }
0x77: {  	v52 =	vshll.u32 v3, $0x3  }
0x78: {  	v3 =	vand.u32 $0x7, v3;
	v4 =	vand.u32 $0xFFFFFFC0, v52  }
0x79: {  	v3 =	vor.u32 v3, v4  }
0x7a: {  	v4 =	vperm.xlane v3, v0;
	_ =	sdelay $0x1  }
0x7b: {  	v4 =	vadd.s32 v1, v4;
	_ =	sdelay $0x4  }
0x7c: {  	[tilespmem:s24], [sflag:$0x1] =	stream.indirect_vreg.gather [hbm4b:s4+s2], $0x80, v4, vm0, $0xb8;
	[tilespmem:$0x10200] =	vst v63  }
0x7d: {  	s13 =	simm.s32 $0xA00;
	v3 =	vperm.xlane v3, v2  }
0x7e: {  	[tilespmem:s13], [sflag:$0x1] =	stream.indirect_vreg.gather [hbm4b:s5+s2], $0x80, v4, vm0, $0xb8;
	[tilespmem:$0x10200] =	vst v63  }
0x7f: {  	s3 =	simm.s32 $0x1200;
	v3 =	vadd.s32 v1, v3  }
0x80: {  	[tilespmem:s3], [sflag:$0x1] =	stream.indirect_vreg.gather [hbm4b:s6+s2], $0x80, v4, vm0, $0xb8;
	[tilespmem:$0x10200] =	vst v63  }
0x81: {  	s9 =	simm.s32 $0x1A00  }
0x82: {  	[tilespmem:s9], [sflag:$0x1] =	stream.indirect_vreg.gather [hbm4b:s7+s2], $0x80, v4, vm0, $0xb8;
	[tilespmem:$0x10200] =	vst v63  }
0x83: {  	s10 =	simm.s32 $0x2200  }
0x84: {  	[tilespmem:s10], [sflag:$0x1] =	stream.indirect_vreg.gather [hbm4b:s4+s2], $0x80, v3, vm0, $0xb8;
	[tilespmem:$0x10200] =	vst v63  }
0x85: {  	s11 =	simm.s32 $0x2A00  }
0x86: {  	[tilespmem:s11], [sflag:$0x1] =	stream.indirect_vreg.gather [hbm4b:s5+s2], $0x80, v3, vm0, $0xb8;
	[tilespmem:$0x10200] =	vst v63  }
0x87: {  	s12 =	simm.s32 $0x3200  }
0x88: {  	[tilespmem:s12], [sflag:$0x1] =	stream.indirect_vreg.gather [hbm4b:s6+s2], $0x80, v3, vm0, $0xb8;
	[tilespmem:$0x10200] =	vst v63  }
0x89: {  	s14 =	simm.s32 $0x3A00  }
0x8a: {  	[tilespmem:s14], [sflag:$0x1] =	stream.indirect_vreg.gather [hbm4b:s7+s2], $0x80, v3, vm0, $0xb8;
	[tilespmem:$0x10200] =	vst v63  }
0x8b: {  	v3 =	vld [tilespmem:$0x90];
	_ =	sdelay $0x4  }
0x8c: {  	v53 =	vshll.u32 v3, $0x3  }
0x8d: {  	v3 =	vand.u32 $0x7, v3;
	v4 =	vand.u32 $0xFFFFFFC0, v53  }
0x8e: {  	v3 =	vor.u32 v3, v4  }
0x8f: {  	v4 =	vperm.xlane v3, v0;
	_ =	sdelay $0x1  }
0x90: {  	v4 =	vadd.s32 v1, v4;
	_ =	sdelay $0x3  }
0x91: {  	s15 =	simm.s32 $0x4200  }
0x92: {  	[tilespmem:s15], [sflag:$0x1] =	stream.indirect_vreg.gather [hbm4b:s4+s2], $0x80, v4, vm0, $0xb8;
	[tilespmem:$0x10200] =	vst v63  }
0x93: {  	s14 =	simm.s32 $0x4A00;
	v3 =	vperm.xlane v3, v2  }
0x94: {  	[tilespmem:s14], [sflag:$0x1] =	stream.indirect_vreg.gather [hbm4b:s5+s2], $0x80, v4, vm0, $0xb8;
	[tilespmem:$0x10200] =	vst v63  }
0x95: {  	s9 =	simm.s32 $0x5200;
	v3 =	vadd.s32 v1, v3  }
0x96: {  	[tilespmem:s9], [sflag:$0x1] =	stream.indirect_vreg.gather [hbm4b:s6+s2], $0x80, v4, vm0, $0xb8;
	[tilespmem:$0x10200] =	vst v63  }
0x97: {  	s10 =	simm.s32 $0x5A00  }
0x98: {  	[tilespmem:s10], [sflag:$0x1] =	stream.indirect_vreg.gather [hbm4b:s7+s2], $0x80, v4, vm0, $0xb8;
	[tilespmem:$0x10200] =	vst v63  }
0x99: {  	s11 =	simm.s32 $0x6200  }
0x9a: {  	[tilespmem:s11], [sflag:$0x1] =	stream.indirect_vreg.gather [hbm4b:s4+s2], $0x80, v3, vm0, $0xb8;
	[tilespmem:$0x10200] =	vst v63  }
0x9b: {  	s12 =	simm.s32 $0x6A00  }
0x9c: {  	[tilespmem:s12], [sflag:$0x1] =	stream.indirect_vreg.gather [hbm4b:s5+s2], $0x80, v3, vm0, $0xb8;
	[tilespmem:$0x10200] =	vst v63  }
0x9d: {  	s13 =	simm.s32 $0x7200  }
0x9e: {  	[tilespmem:s13], [sflag:$0x1] =	stream.indirect_vreg.gather [hbm4b:s6+s2], $0x80, v3, vm0, $0xb8;
	[tilespmem:$0x10200] =	vst v63  }
0x9f: {  	s15 =	simm.s32 $0x7A00  }
0xa0: {  	[tilespmem:s15], [sflag:$0x1] =	stream.indirect_vreg.gather [hbm4b:s7+s2], $0x80, v3, vm0, $0xb8;
	[tilespmem:$0x10200] =	vst v63  }
0xa1: {  	_ =	swait.ge [sflag:s26], $0x8000  }
0xa2: {  	[sflag:s26] =	ssyncset.done $0x0  }
0xa3: {  	s23 =	rddreg [dreg:$0x5];
	[sflag:s26] =	ssyncadd.s32 $0xFFFF8000  }
0xa4: {  	[hbm4b:s23+s2] =	stream.linear.scatter [tilespmem:s24], [sflag:$0x2], $0x8000, $0x38;
	[tilespmem:$0x10200] =	vst v63  }
0xa5: {  	_ =	swait.ge [sflag:s19], $0x8000  }
0xa6: {  	[sflag:s19] =	ssyncset.done $0x0  }
0xa7: {  	[sflag:s19] =	ssyncadd.s32 $0xFFFF8000  }
0xa8: {  	v3 =	vld [tilespmem:$0xA0];
	_ =	sdelay $0x4  }
0xa9: {  	v54 =	vshll.u32 v3, $0x3  }
0xaa: {  	v3 =	vand.u32 $0x7, v3;
	v4 =	vand.u32 $0xFFFFFFC0, v54  }
0xab: {  	v3 =	vor.u32 v3, v4  }
0xac: {  	v4 =	vperm.xlane v3, v0;
	_ =	sdelay $0x1  }
0xad: {  	v4 =	vadd.s32 v1, v4;
	_ =	sdelay $0x4  }
0xae: {  	[tilespmem:s28], [sflag:$0x1] =	stream.indirect_vreg.gather [hbm4b:s4+s2], $0x80, v4, vm0, $0xb8;
	[tilespmem:$0x10200] =	vst v63  }
0xaf: {  	s1 =	simm.s32 $0x8A00;
	v3 =	vperm.xlane v3, v2  }
0xb0: {  	[tilespmem:s1], [sflag:$0x1] =	stream.indirect_vreg.gather [hbm4b:s5+s2], $0x80, v4, vm0, $0xb8;
	[tilespmem:$0x10200] =	vst v63  }
0xb1: {  	s0 =	simm.s32 $0x9200;
	v3 =	vadd.s32 v1, v3  }
0xb2: {  	[tilespmem:s0], [sflag:$0x1] =	stream.indirect_vreg.gather [hbm4b:s6+s2], $0x80, v4, vm0, $0xb8;
	[tilespmem:$0x10200] =	vst v63  }
0xb3: {  	s1 =	simm.s32 $0x9A00  }
0xb4: {  	[tilespmem:s1], [sflag:$0x1] =	stream.indirect_vreg.gather [hbm4b:s7+s2], $0x80, v4, vm0, $0xb8;
	[tilespmem:$0x10200] =	vst v63  }
0xb5: {  	s3 =	simm.s32 $0xA200  }
0xb6: {  	[tilespmem:s3], [sflag:$0x1] =	stream.indirect_vreg.gather [hbm4b:s4+s2], $0x80, v3, vm0, $0xb8;
	[tilespmem:$0x10200] =	vst v63  }
0xb7: {  	s29 =	simm.s32 $0xAA00  }
0xb8: {  	[tilespmem:s29], [sflag:$0x1] =	stream.indirect_vreg.gather [hbm4b:s5+s2], $0x80, v3, vm0, $0xb8;
	[tilespmem:$0x10200] =	vst v63  }
0xb9: {  	s22 =	simm.s32 $0xB200  }
0xba: {  	[tilespmem:s22], [sflag:$0x1] =	stream.indirect_vreg.gather [hbm4b:s6+s2], $0x80, v3, vm0, $0xb8;
	[tilespmem:$0x10200] =	vst v63  }
0xbb: {  	s18 =	simm.s32 $0xBA00  }
0xbc: {  	[tilespmem:s18], [sflag:$0x1] =	stream.indirect_vreg.gather [hbm4b:s7+s2], $0x80, v3, vm0, $0xb8;
	[tilespmem:$0x10200] =	vst v63  }
0xbd: {  	v3 =	vld [tilespmem:$0xB0];
	_ =	sdelay $0x4  }
0xbe: {  	v55 =	vshll.u32 v3, $0x3  }
0xbf: {  	v3 =	vand.u32 $0x7, v3;
	v4 =	vand.u32 $0xFFFFFFC0, v55  }
0xc0: {  	v3 =	vor.u32 v3, v4  }
0xc1: {  	v4 =	vperm.xlane v3, v0;
	_ =	sdelay $0x1  }
0xc2: {  	v4 =	vadd.s32 v1, v4;
	_ =	sdelay $0x3  }
0xc3: {  	s21 =	simm.s32 $0xC200  }
0xc4: {  	[tilespmem:s21], [sflag:$0x1] =	stream.indirect_vreg.gather [hbm4b:s4+s2], $0x80, v4, vm0, $0xb8;
	[tilespmem:$0x10200] =	vst v63  }
0xc5: {  	s16 =	simm.s32 $0xCA00;
	v3 =	vperm.xlane v3, v2  }
0xc6: {  	[tilespmem:s16], [sflag:$0x1] =	stream.indirect_vreg.gather [hbm4b:s5+s2], $0x80, v4, vm0, $0xb8;
	[tilespmem:$0x10200] =	vst v63  }
0xc7: {  	s25 =	simm.s32 $0xD200;
	v3 =	vadd.s32 v1, v3  }
0xc8: {  	[tilespmem:s25], [sflag:$0x1] =	stream.indirect_vreg.gather [hbm4b:s6+s2], $0x80, v4, vm0, $0xb8;
	[tilespmem:$0x10200] =	vst v63  }
0xc9: {  	s31 =	simm.s32 $0xDA00  }
0xca: {  	[tilespmem:s31], [sflag:$0x1] =	stream.indirect_vreg.gather [hbm4b:s7+s2], $0x80, v4, vm0, $0xb8;
	[tilespmem:$0x10200] =	vst v63  }
0xcb: {  	s29 =	simm.s32 $0xE200  }
0xcc: {  	[tilespmem:s29], [sflag:$0x1] =	stream.indirect_vreg.gather [hbm4b:s4+s2], $0x80, v3, vm0, $0xb8;
	[tilespmem:$0x10200] =	vst v63  }
0xcd: {  	s20 =	simm.s32 $0xEA00  }
0xce: {  	[tilespmem:s20], [sflag:$0x1] =	stream.indirect_vreg.gather [hbm4b:s5+s2], $0x80, v3, vm0, $0xb8;
	[tilespmem:$0x10200] =	vst v63  }
0xcf: {  	s20 =	simm.s32 $0xF200  }
0xd0: {  	[tilespmem:s20], [sflag:$0x1] =	stream.indirect_vreg.gather [hbm4b:s6+s2], $0x80, v3, vm0, $0xb8;
	[tilespmem:$0x10200] =	vst v63  }
0xd1: {  	s17 =	simm.s32 $0xFA00  }
0xd2: {  	[tilespmem:s17], [sflag:$0x1] =	stream.indirect_vreg.gather [hbm4b:s7+s2], $0x80, v3, vm0, $0xb8;
	[tilespmem:$0x10200] =	vst v63  }
0xd3: {  	_ =	swait.ge [sflag:s26], $0x8000  }
0xd4: {  	[sflag:s26] =	ssyncset.done $0x0  }
0xd5: {  	s17 =	rddreg [dreg:$0x6];
	[sflag:s26] =	ssyncadd.s32 $0xFFFF8000  }
0xd6: {  	[hbm4b:s17+s2] =	stream.linear.scatter [tilespmem:s28], [sflag:$0x2], $0x8000, $0x38;
	[tilespmem:$0x10200] =	vst v63  }
0xd7: {  	_ =	swait.ge [sflag:s19], $0x8000  }
0xd8: {  	[sflag:s19] =	ssyncset.done $0x0  }
0xd9: {  	[sflag:s19] =	ssyncadd.s32 $0xFFFF8000  }
0xda: {  	v3 =	vld [tilespmem:$0x100];
	_ =	sdelay $0x4  }
0xdb: {  	v56 =	vshll.u32 v3, $0x3  }
0xdc: {  	v3 =	vand.u32 $0x7, v3;
	v4 =	vand.u32 $0xFFFFFFC0, v56  }
0xdd: {  	v3 =	vor.u32 v3, v4  }
0xde: {  	v4 =	vperm.xlane v3, v0;
	_ =	sdelay $0x1  }
0xdf: {  	v4 =	vadd.s32 v1, v4;
	_ =	sdelay $0x4  }
0xe0: {  	[tilespmem:s24], [sflag:$0x1] =	stream.indirect_vreg.gather [hbm4b:s4+s2], $0x80, v4, vm0, $0xb8;
	[tilespmem:$0x10200] =	vst v63  }
0xe1: {  	s20 =	simm.s32 $0xA00;
	v3 =	vperm.xlane v3, v2  }
0xe2: {  	[tilespmem:s20], [sflag:$0x1] =	stream.indirect_vreg.gather [hbm4b:s5+s2], $0x80, v4, vm0, $0xb8;
	[tilespmem:$0x10200] =	vst v63  }
0xe3: {  	v3 =	vadd.s32 v1, v3;
	s20 =	simm.s32 $0x1200  }
0xe4: {  	[tilespmem:s20], [sflag:$0x1] =	stream.indirect_vreg.gather [hbm4b:s6+s2], $0x80, v4, vm0, $0xb8;
	[tilespmem:$0x10200] =	vst v63  }
0xe5: {  	s20 =	simm.s32 $0x1A00  }
0xe6: {  	[tilespmem:s20], [sflag:$0x1] =	stream.indirect_vreg.gather [hbm4b:s7+s2], $0x80, v4, vm0, $0xb8;
	[tilespmem:$0x10200] =	vst v63  }
0xe7: {  	s20 =	simm.s32 $0x2200  }
0xe8: {  	[tilespmem:s20], [sflag:$0x1] =	stream.indirect_vreg.gather [hbm4b:s4+s2], $0x80, v3, vm0, $0xb8;
	[tilespmem:$0x10200] =	vst v63  }
0xe9: {  	s20 =	simm.s32 $0x2A00  }
0xea: {  	[tilespmem:s20], [sflag:$0x1] =	stream.indirect_vreg.gather [hbm4b:s5+s2], $0x80, v3, vm0, $0xb8;
	[tilespmem:$0x10200] =	vst v63  }
0xeb: {  	s20 =	simm.s32 $0x3200  }
0xec: {  	[tilespmem:s20], [sflag:$0x1] =	stream.indirect_vreg.gather [hbm4b:s6+s2], $0x80, v3, vm0, $0xb8;
	[tilespmem:$0x10200] =	vst v63  }
0xed: {  	s20 =	simm.s32 $0x3A00  }
0xee: {  	[tilespmem:s20], [sflag:$0x1] =	stream.indirect_vreg.gather [hbm4b:s7+s2], $0x80, v3, vm0, $0xb8;
	[tilespmem:$0x10200] =	vst v63  }
0xef: {  	v3 =	vld [tilespmem:$0x110];
	_ =	sdelay $0x4  }
0xf0: {  	v57 =	vshll.u32 v3, $0x3  }
0xf1: {  	v3 =	vand.u32 $0x7, v3;
	v4 =	vand.u32 $0xFFFFFFC0, v57  }
0xf2: {  	v3 =	vor.u32 v3, v4  }
0xf3: {  	v4 =	vperm.xlane v3, v0;
	_ =	sdelay $0x1  }
0xf4: {  	v4 =	vadd.s32 v1, v4;
	_ =	sdelay $0x3  }
0xf5: {  	s20 =	simm.s32 $0x4200  }
0xf6: {  	[tilespmem:s20], [sflag:$0x1] =	stream.indirect_vreg.gather [hbm4b:s4+s2], $0x80, v4, vm0, $0xb8;
	[tilespmem:$0x10200] =	vst v63  }
0xf7: {  	v3 =	vperm.xlane v3, v2  }
0xf8: {  	[tilespmem:s14], [sflag:$0x1] =	stream.indirect_vreg.gather [hbm4b:s5+s2], $0x80, v4, vm0, $0xb8;
	[tilespmem:$0x10200] =	vst v63  }
0xf9: {  	v3 =	vadd.s32 v1, v3  }
0xfa: {  	[tilespmem:s9], [sflag:$0x1] =	stream.indirect_vreg.gather [hbm4b:s6+s2], $0x80, v4, vm0, $0xb8;
	[tilespmem:$0x10200] =	vst v63  }
0xfb: {  	_ = 	snop  }
0xfc: {  	[tilespmem:s10], [sflag:$0x1] =	stream.indirect_vreg.gather [hbm4b:s7+s2], $0x80, v4, vm0, $0xb8;
	[tilespmem:$0x10200] =	vst v63  }
0xfd: {  	_ = 	snop  }
0xfe: {  	[tilespmem:s11], [sflag:$0x1] =	stream.indirect_vreg.gather [hbm4b:s4+s2], $0x80, v3, vm0, $0xb8;
	[tilespmem:$0x10200] =	vst v63  }
0xff: {  	_ = 	snop  }
0x100: {  	[tilespmem:s12], [sflag:$0x1] =	stream.indirect_vreg.gather [hbm4b:s5+s2], $0x80, v3, vm0, $0xb8;
	[tilespmem:$0x10200] =	vst v63  }
0x101: {  	_ = 	snop  }
0x102: {  	[tilespmem:s13], [sflag:$0x1] =	stream.indirect_vreg.gather [hbm4b:s6+s2], $0x80, v3, vm0, $0xb8;
	[tilespmem:$0x10200] =	vst v63  }
0x103: {  	_ = 	snop  }
0x104: {  	[tilespmem:s15], [sflag:$0x1] =	stream.indirect_vreg.gather [hbm4b:s7+s2], $0x80, v3, vm0, $0xb8;
	[tilespmem:$0x10200] =	vst v63  }
0x105: {  	_ =	swait.ge [sflag:s26], $0x8000  }
0x106: {  	[sflag:s26] =	ssyncset.done $0x0  }
0x107: {  	s17 =	rddreg [dreg:$0x7];
	[sflag:s26] =	ssyncadd.s32 $0xFFFF8000  }
0x108: {  	[hbm4b:s17+s2] =	stream.linear.scatter [tilespmem:s24], [sflag:$0x2], $0x8000, $0x38;
	[tilespmem:$0x10200] =	vst v63  }
0x109: {  	_ =	swait.ge [sflag:s19], $0x8000  }
0x10a: {  	[sflag:s19] =	ssyncset.done $0x0  }
0x10b: {  	[sflag:s19] =	ssyncadd.s32 $0xFFFF8000  }
0x10c: {  	v3 =	vld [tilespmem:$0x120];
	_ =	sdelay $0x4  }
0x10d: {  	v58 =	vshll.u32 v3, $0x3  }
0x10e: {  	v3 =	vand.u32 $0x7, v3;
	v4 =	vand.u32 $0xFFFFFFC0, v58  }
0x10f: {  	v3 =	vor.u32 v3, v4  }
0x110: {  	v4 =	vperm.xlane v3, v0;
	_ =	sdelay $0x1  }
0x111: {  	v4 =	vadd.s32 v1, v4;
	_ =	sdelay $0x4  }
0x112: {  	[tilespmem:s28], [sflag:$0x1] =	stream.indirect_vreg.gather [hbm4b:s4+s2], $0x80, v4, vm0, $0xb8;
	[tilespmem:$0x10200] =	vst v63  }
0x113: {  	s30 =	simm.s32 $0x8A00;
	v3 =	vperm.xlane v3, v2  }
0x114: {  	[tilespmem:s30], [sflag:$0x1] =	stream.indirect_vreg.gather [hbm4b:s5+s2], $0x80, v4, vm0, $0xb8;
	[tilespmem:$0x10200] =	vst v63  }
0x115: {  	v3 =	vadd.s32 v1, v3  }
0x116: {  	[tilespmem:s0], [sflag:$0x1] =	stream.indirect_vreg.gather [hbm4b:s6+s2], $0x80, v4, vm0, $0xb8;
	[tilespmem:$0x10200] =	vst v63  }
0x117: {  	_ = 	snop  }
0x118: {  	[tilespmem:s1], [sflag:$0x1] =	stream.indirect_vreg.gather [hbm4b:s7+s2], $0x80, v4, vm0, $0xb8;
	[tilespmem:$0x10200] =	vst v63  }
0x119: {  	_ = 	snop  }
0x11a: {  	[tilespmem:s3], [sflag:$0x1] =	stream.indirect_vreg.gather [hbm4b:s4+s2], $0x80, v3, vm0, $0xb8;
	[tilespmem:$0x10200] =	vst v63  }
0x11b: {  	s23 =	simm.s32 $0xAA00  }
0x11c: {  	[tilespmem:s23], [sflag:$0x1] =	stream.indirect_vreg.gather [hbm4b:s5+s2], $0x80, v3, vm0, $0xb8;
	[tilespmem:$0x10200] =	vst v63  }
0x11d: {  	s22 =	simm.s32 $0xB200  }
0x11e: {  	[tilespmem:s22], [sflag:$0x1] =	stream.indirect_vreg.gather [hbm4b:s6+s2], $0x80, v3, vm0, $0xb8;
	[tilespmem:$0x10200] =	vst v63  }
0x11f: {  	s18 =	simm.s32 $0xBA00  }
0x120: {  	[tilespmem:s18], [sflag:$0x1] =	stream.indirect_vreg.gather [hbm4b:s7+s2], $0x80, v3, vm0, $0xb8;
	[tilespmem:$0x10200] =	vst v63  }
0x121: {  	v3 =	vld [tilespmem:$0x130];
	_ =	sdelay $0x4  }
0x122: {  	v59 =	vshll.u32 v3, $0x3  }
0x123: {  	v3 =	vand.u32 $0x7, v3;
	v4 =	vand.u32 $0xFFFFFFC0, v59  }
0x124: {  	v3 =	vor.u32 v3, v4  }
0x125: {  	v4 =	vperm.xlane v3, v0;
	_ =	sdelay $0x1  }
0x126: {  	v4 =	vadd.s32 v1, v4;
	_ =	sdelay $0x3  }
0x127: {  	s21 =	simm.s32 $0xC200  }
0x128: {  	[tilespmem:s21], [sflag:$0x1] =	stream.indirect_vreg.gather [hbm4b:s4+s2], $0x80, v4, vm0, $0xb8;
	[tilespmem:$0x10200] =	vst v63  }
0x129: {  	v3 =	vperm.xlane v3, v2;
	s21 =	simm.s32 $0xCA00  }
0x12a: {  	[tilespmem:s21], [sflag:$0x1] =	stream.indirect_vreg.gather [hbm4b:s5+s2], $0x80, v4, vm0, $0xb8;
	[tilespmem:$0x10200] =	vst v63  }
0x12b: {  	s25 =	simm.s32 $0xD200;
	v3 =	vadd.s32 v1, v3  }
0x12c: {  	[tilespmem:s25], [sflag:$0x1] =	stream.indirect_vreg.gather [hbm4b:s6+s2], $0x80, v4, vm0, $0xb8;
	[tilespmem:$0x10200] =	vst v63  }
0x12d: {  	s31 =	simm.s32 $0xDA00  }
0x12e: {  	[tilespmem:s31], [sflag:$0x1] =	stream.indirect_vreg.gather [hbm4b:s7+s2], $0x80, v4, vm0, $0xb8;
	[tilespmem:$0x10200] =	vst v63  }
0x12f: {  	s29 =	simm.s32 $0xE200  }
0x130: {  	[tilespmem:s29], [sflag:$0x1] =	stream.indirect_vreg.gather [hbm4b:s4+s2], $0x80, v3, vm0, $0xb8;
	[tilespmem:$0x10200] =	vst v63  }
0x131: {  	s29 =	simm.s32 $0xEA00  }
0x132: {  	[tilespmem:s29], [sflag:$0x1] =	stream.indirect_vreg.gather [hbm4b:s5+s2], $0x80, v3, vm0, $0xb8;
	[tilespmem:$0x10200] =	vst v63  }
0x133: {  	s16 =	simm.s32 $0xF200  }
0x134: {  	[tilespmem:s16], [sflag:$0x1] =	stream.indirect_vreg.gather [hbm4b:s6+s2], $0x80, v3, vm0, $0xb8;
	[tilespmem:$0x10200] =	vst v63  }
0x135: {  	s20 =	simm.s32 $0xFA00  }
0x136: {  	[tilespmem:s20], [sflag:$0x1] =	stream.indirect_vreg.gather [hbm4b:s7+s2], $0x80, v3, vm0, $0xb8;
	[tilespmem:$0x10200] =	vst v63  }
0x137: {  	_ =	swait.ge [sflag:s26], $0x8000  }
0x138: {  	[sflag:s26] =	ssyncset.done $0x0  }
0x139: {  	s20 =	rddreg [dreg:$0x8];
	[sflag:s26] =	ssyncadd.s32 $0xFFFF8000  }
0x13a: {  	[hbm4b:s20+s2] =	stream.linear.scatter [tilespmem:s28], [sflag:$0x2], $0x8000, $0x38;
	[tilespmem:$0x10200] =	vst v63  }
0x13b: {  	_ =	swait.ge [sflag:s19], $0x8000  }
0x13c: {  	[sflag:s19] =	ssyncset.done $0x0  }
0x13d: {  	[sflag:s19] =	ssyncadd.s32 $0xFFFF8000  }
0x13e: {  	v3 =	vld [tilespmem:$0x180];
	_ =	sdelay $0x4  }
0x13f: {  	v60 =	vshll.u32 v3, $0x3  }
0x140: {  	v3 =	vand.u32 $0x7, v3;
	v4 =	vand.u32 $0xFFFFFFC0, v60  }
0x141: {  	v3 =	vor.u32 v3, v4  }
0x142: {  	v4 =	vperm.xlane v3, v0;
	_ =	sdelay $0x1  }
0x143: {  	v4 =	vadd.s32 v1, v4;
	_ =	sdelay $0x4  }
0x144: {  	[tilespmem:s24], [sflag:$0x1] =	stream.indirect_vreg.gather [hbm4b:s4+s2], $0x80, v4, vm0, $0xb8;
	[tilespmem:$0x10200] =	vst v63  }
0x145: {  	s20 =	simm.s32 $0xA00;
	v3 =	vperm.xlane v3, v2  }
0x146: {  	[tilespmem:s20], [sflag:$0x1] =	stream.indirect_vreg.gather [hbm4b:s5+s2], $0x80, v4, vm0, $0xb8;
	[tilespmem:$0x10200] =	vst v63  }
0x147: {  	v3 =	vadd.s32 v1, v3;
	s20 =	simm.s32 $0x1200  }
0x148: {  	[tilespmem:s20], [sflag:$0x1] =	stream.indirect_vreg.gather [hbm4b:s6+s2], $0x80, v4, vm0, $0xb8;
	[tilespmem:$0x10200] =	vst v63  }
0x149: {  	s20 =	simm.s32 $0x1A00  }
0x14a: {  	[tilespmem:s20], [sflag:$0x1] =	stream.indirect_vreg.gather [hbm4b:s7+s2], $0x80, v4, vm0, $0xb8;
	[tilespmem:$0x10200] =	vst v63  }
0x14b: {  	s20 =	simm.s32 $0x2200  }
0x14c: {  	[tilespmem:s20], [sflag:$0x1] =	stream.indirect_vreg.gather [hbm4b:s4+s2], $0x80, v3, vm0, $0xb8;
	[tilespmem:$0x10200] =	vst v63  }
0x14d: {  	s20 =	simm.s32 $0x2A00  }
0x14e: {  	[tilespmem:s20], [sflag:$0x1] =	stream.indirect_vreg.gather [hbm4b:s5+s2], $0x80, v3, vm0, $0xb8;
	[tilespmem:$0x10200] =	vst v63  }
0x14f: {  	s20 =	simm.s32 $0x3200  }
0x150: {  	[tilespmem:s20], [sflag:$0x1] =	stream.indirect_vreg.gather [hbm4b:s6+s2], $0x80, v3, vm0, $0xb8;
	[tilespmem:$0x10200] =	vst v63  }
0x151: {  	s20 =	simm.s32 $0x3A00  }
0x152: {  	[tilespmem:s20], [sflag:$0x1] =	stream.indirect_vreg.gather [hbm4b:s7+s2], $0x80, v3, vm0, $0xb8;
	[tilespmem:$0x10200] =	vst v63  }
0x153: {  	v3 =	vld [tilespmem:$0x190];
	_ =	sdelay $0x4  }
0x154: {  	v61 =	vshll.u32 v3, $0x3  }
0x155: {  	v3 =	vand.u32 $0x7, v3;
	v4 =	vand.u32 $0xFFFFFFC0, v61  }
0x156: {  	v3 =	vor.u32 v3, v4  }
0x157: {  	v4 =	vperm.xlane v3, v0;
	_ =	sdelay $0x1  }
0x158: {  	v4 =	vadd.s32 v1, v4;
	_ =	sdelay $0x3  }
0x159: {  	s20 =	simm.s32 $0x4200  }
0x15a: {  	[tilespmem:s20], [sflag:$0x1] =	stream.indirect_vreg.gather [hbm4b:s4+s2], $0x80, v4, vm0, $0xb8;
	[tilespmem:$0x10200] =	vst v63  }
0x15b: {  	s14 =	simm.s32 $0x4A00;
	v3 =	vperm.xlane v3, v2  }
0x15c: {  	[tilespmem:s14], [sflag:$0x1] =	stream.indirect_vreg.gather [hbm4b:s5+s2], $0x80, v4, vm0, $0xb8;
	[tilespmem:$0x10200] =	vst v63  }
0x15d: {  	s9 =	simm.s32 $0x5200;
	v3 =	vadd.s32 v1, v3  }
0x15e: {  	[tilespmem:s9], [sflag:$0x1] =	stream.indirect_vreg.gather [hbm4b:s6+s2], $0x80, v4, vm0, $0xb8;
	[tilespmem:$0x10200] =	vst v63  }
0x15f: {  	s10 =	simm.s32 $0x5A00  }
0x160: {  	[tilespmem:s10], [sflag:$0x1] =	stream.indirect_vreg.gather [hbm4b:s7+s2], $0x80, v4, vm0, $0xb8;
	[tilespmem:$0x10200] =	vst v63  }
0x161: {  	s11 =	simm.s32 $0x6200  }
0x162: {  	[tilespmem:s11], [sflag:$0x1] =	stream.indirect_vreg.gather [hbm4b:s4+s2], $0x80, v3, vm0, $0xb8;
	[tilespmem:$0x10200] =	vst v63  }
0x163: {  	s12 =	simm.s32 $0x6A00  }
0x164: {  	[tilespmem:s12], [sflag:$0x1] =	stream.indirect_vreg.gather [hbm4b:s5+s2], $0x80, v3, vm0, $0xb8;
	[tilespmem:$0x10200] =	vst v63  }
0x165: {  	s13 =	simm.s32 $0x7200  }
0x166: {  	[tilespmem:s13], [sflag:$0x1] =	stream.indirect_vreg.gather [hbm4b:s6+s2], $0x80, v3, vm0, $0xb8;
	[tilespmem:$0x10200] =	vst v63  }
0x167: {  	s15 =	simm.s32 $0x7A00  }
0x168: {  	[tilespmem:s15], [sflag:$0x1] =	stream.indirect_vreg.gather [hbm4b:s7+s2], $0x80, v3, vm0, $0xb8;
	[tilespmem:$0x10200] =	vst v63  }
0x169: {  	_ =	swait.ge [sflag:s26], $0x8000  }
0x16a: {  	[sflag:s26] =	ssyncset.done $0x0  }
0x16b: {  	s15 =	rddreg [dreg:$0x9];
	[sflag:s26] =	ssyncadd.s32 $0xFFFF8000  }
0x16c: {  	[hbm4b:s15+s2] =	stream.linear.scatter [tilespmem:s24], [sflag:$0x2], $0x8000, $0x38;
	[tilespmem:$0x10200] =	vst v63  }
0x16d: {  	_ =	swait.ge [sflag:s19], $0x8000  }
0x16e: {  	[sflag:s19] =	ssyncset.done $0x0  }
0x16f: {  	[sflag:s19] =	ssyncadd.s32 $0xFFFF8000  }
0x170: {  	v3 =	vld [tilespmem:$0x1A0];
	_ =	sdelay $0x4  }
0x171: {  	v62 =	vshll.u32 v3, $0x3  }
0x172: {  	v3 =	vand.u32 $0x7, v3;
	v4 =	vand.u32 $0xFFFFFFC0, v62  }
0x173: {  	v3 =	vor.u32 v3, v4  }
0x174: {  	v4 =	vperm.xlane v3, v0;
	_ =	sdelay $0x1  }
0x175: {  	v4 =	vadd.s32 v1, v4;
	_ =	sdelay $0x4  }
0x176: {  	[tilespmem:s28], [sflag:$0x1] =	stream.indirect_vreg.gather [hbm4b:s4+s2], $0x80, v4, vm0, $0xb8;
	[tilespmem:$0x10200] =	vst v63  }
0x177: {  	s20 =	simm.s32 $0x8A00;
	v3 =	vperm.xlane v3, v2  }
0x178: {  	[tilespmem:s20], [sflag:$0x1] =	stream.indirect_vreg.gather [hbm4b:s5+s2], $0x80, v4, vm0, $0xb8;
	[tilespmem:$0x10200] =	vst v63  }
0x179: {  	s0 =	simm.s32 $0x9200;
	v3 =	vadd.s32 v1, v3  }
0x17a: {  	[tilespmem:s0], [sflag:$0x1] =	stream.indirect_vreg.gather [hbm4b:s6+s2], $0x80, v4, vm0, $0xb8;
	[tilespmem:$0x10200] =	vst v63  }
0x17b: {  	s1 =	simm.s32 $0x9A00  }
0x17c: {  	[tilespmem:s1], [sflag:$0x1] =	stream.indirect_vreg.gather [hbm4b:s7+s2], $0x80, v4, vm0, $0xb8;
	[tilespmem:$0x10200] =	vst v63  }
0x17d: {  	s3 =	simm.s32 $0xA200  }
0x17e: {  	[tilespmem:s3], [sflag:$0x1] =	stream.indirect_vreg.gather [hbm4b:s4+s2], $0x80, v3, vm0, $0xb8;
	[tilespmem:$0x10200] =	vst v63  }
0x17f: {  	s30 =	simm.s32 $0xAA00  }
0x180: {  	[tilespmem:s30], [sflag:$0x1] =	stream.indirect_vreg.gather [hbm4b:s5+s2], $0x80, v3, vm0, $0xb8;
	[tilespmem:$0x10200] =	vst v63  }
0x181: {  	s17 =	simm.s32 $0xB200  }
0x182: {  	[tilespmem:s17], [sflag:$0x1] =	stream.indirect_vreg.gather [hbm4b:s6+s2], $0x80, v3, vm0, $0xb8;
	[tilespmem:$0x10200] =	vst v63  }
0x183: {  	s22 =	simm.s32 $0xBA00  }
0x184: {  	[tilespmem:s22], [sflag:$0x1] =	stream.indirect_vreg.gather [hbm4b:s7+s2], $0x80, v3, vm0, $0xb8;
	[tilespmem:$0x10200] =	vst v63  }
0x185: {  	v3 =	vld [tilespmem:$0x1B0];
	_ =	sdelay $0x4  }
0x186: {  	v63 =	vshll.u32 v3, $0x3  }
0x187: {  	v3 =	vand.u32 $0x7, v3;
	v4 =	vand.u32 $0xFFFFFFC0, v63  }
0x188: {  	v3 =	vor.u32 v3, v4  }
0x189: {  	v4 =	vperm.xlane v3, v0;
	_ =	sdelay $0x1  }
0x18a: {  	v4 =	vadd.s32 v1, v4;
	_ =	sdelay $0x3  }
0x18b: {  	s23 =	simm.s32 $0xC200  }
0x18c: {  	[tilespmem:s23], [sflag:$0x1] =	stream.indirect_vreg.gather [hbm4b:s4+s2], $0x80, v4, vm0, $0xb8;
	[tilespmem:$0x10200] =	vst v63  }
0x18d: {  	s30 =	simm.s32 $0xCA00;
	v3 =	vperm.xlane v3, v2  }
0x18e: {  	[tilespmem:s30], [sflag:$0x1] =	stream.indirect_vreg.gather [hbm4b:s5+s2], $0x80, v4, vm0, $0xb8;
	[tilespmem:$0x10200] =	vst v63  }
0x18f: {  	s21 =	simm.s32 $0xD200;
	v3 =	vadd.s32 v1, v3  }
0x190: {  	[tilespmem:s21], [sflag:$0x1] =	stream.indirect_vreg.gather [hbm4b:s6+s2], $0x80, v4, vm0, $0xb8;
	[tilespmem:$0x10200] =	vst v63  }
0x191: {  	s31 =	simm.s32 $0xDA00  }
0x192: {  	[tilespmem:s31], [sflag:$0x1] =	stream.indirect_vreg.gather [hbm4b:s7+s2], $0x80, v4, vm0, $0xb8;
	[tilespmem:$0x10200] =	vst v63  }
0x193: {  	s25 =	simm.s32 $0xE200  }
0x194: {  	[tilespmem:s25], [sflag:$0x1] =	stream.indirect_vreg.gather [hbm4b:s4+s2], $0x80, v3, vm0, $0xb8;
	[tilespmem:$0x10200] =	vst v63  }
0x195: {  	s29 =	simm.s32 $0xEA00  }
0x196: {  	[tilespmem:s29], [sflag:$0x1] =	stream.indirect_vreg.gather [hbm4b:s5+s2], $0x80, v3, vm0, $0xb8;
	[tilespmem:$0x10200] =	vst v63  }
0x197: {  	s18 =	simm.s32 $0xF200  }
0x198: {  	[tilespmem:s18], [sflag:$0x1] =	stream.indirect_vreg.gather [hbm4b:s6+s2], $0x80, v3, vm0, $0xb8;
	[tilespmem:$0x10200] =	vst v63  }
0x199: {  	s16 =	simm.s32 $0xFA00  }
0x19a: {  	[tilespmem:s16], [sflag:$0x1] =	stream.indirect_vreg.gather [hbm4b:s7+s2], $0x80, v3, vm0, $0xb8;
	[tilespmem:$0x10200] =	vst v63  }
0x19b: {  	_ =	swait.ge [sflag:s26], $0x8000  }
0x19c: {  	[sflag:s26] =	ssyncset.done $0x0  }
0x19d: {  	s31 =	rddreg [dreg:$0xa];
	[sflag:s26] =	ssyncadd.s32 $0xFFFF8000  }
0x19e: {  	[hbm4b:s31+s2] =	stream.linear.scatter [tilespmem:s28], [sflag:$0x2], $0x8000, $0x38;
	[tilespmem:$0x10200] =	vst v63  }
0x19f: {  	p0 =	sne.s32 s8, $0x1;
	_ =	swait.ge [sflag:s19], $0x8000  }
.Ltmp0:
0x1a0: {  	[sflag:s19] =	ssyncset.done $0x0;
	(pc) =	sbr.rel @p0 .LBB2_1-.Ltmp0, $4  }
0x1a1: {  	[sflag:s19] =	ssyncadd.s32 $0xFFFF8000  }
0x1a2: {  	_ =	swait.ge [sflag:s19], $0x8000  }
0x1a3: {  	[sflag:s19] =	ssyncset.done $0x0  }
0x1a4: {  	s8 =	sadd.s32 $0xFFFFFFFF, s8;
	[sflag:s19] =	ssyncadd.s32 $0xFFFF8000  }
0x1a5: {  	_ =	sfence.sel $0x180000  }
0x1a6: {  	[bflag:$0x0] =	sbarrier.arrive $0xFFFF  }
0x1a7: {  	_ =	strace $0x9000004A  }
0x1a8: {  	s0 =	stileid.u32;
	[bflag:$0x2] =	sbarrier.arrive $0xFFFF  }
0x1a9: {  	p0 =	sne.s32 s0, $0x0;
	s0 =	rddreg [dreg:$0x2]  }
0x1aa: {  	s0 =	sadd.s32 @!p0 $0x100000, s0  }
0x1ab: {  	[sflag:s0] =	ssyncadd.tile.s32 @!p0 $0x1;
	_ =	shalt  }
.Lfunc_end2:
_tile_overlayer_lowered:
.L_overlay_start_2:
0x1ac: {  	(tag) =	ssettag $0x2  }
0x1ad: {  	s0 =	rddreg [dreg:$0x0];
	s2 =	stileid.u32  }
0x1ae: {  	s1 =	rddreg [dreg:$0x1];
	p0 =	sne.s32 s2, $0x0  }
0x1af: {  	s3 =	rddreg [dreg:$0x2];
	[bflag:$0x3] =	sbarrier.arrive $0xFFFF;
	s2 =	simm.s32 @!p0 $0x1C03  }
0x1b0: {  	[timem:s3], [sflag:s2] =	dma.local @!p0 [hbm:s0], s1  }
0x1b1: {  	s0 =	simm.s32 @!p0 $0x3  }
0x1b2: {  	_ =	swait.ge @!p0 [sflag:s0], s1  }
0x1b3: {  	s1 =	ssub.s32 @!p0 $0x0, s1;
	[sflag:s0] =	ssyncset.done @!p0 $0x0  }
0x1b4: {  	[sflag:s0] =	ssyncadd.s32 @!p0 s1  }
0x1b5: {  	[bflag:$0x3] =	sbarrier.arrive $0xFFFF  }
0x1b6: {  	_ =	shalt  }

</sc_bundles>
